<compile_context>
chip_gen: v7x
topology: tpu7x:2x2x1
jax: 0.10.2.dev20260603
libtpu: 0.0.44.dev20260713+nightly
codegen_flags: <defaults>
</compile_context>

<pallas_src>
import functools

import jax
import jax.numpy as jnp
from jax import lax
from jax.experimental import pallas as pl
from jax.experimental.pallas import tpu as pltpu
from jax.experimental.pallas import tpu_sc as plsc

VOCAB = 1000000
MAX_LEN = 200
EMBED_DIM = 64
BATCH = 1024
SEQ_LEN = 200

N = BATCH * SEQ_LEN
_INFO = plsc.get_sparse_core_info()
NC = _INFO.num_cores
NS = _INFO.num_subcores
NW = NC * NS
SEQ_PER_W = BATCH // NW
PER_W = N // NW
CHUNK = SEQ_LEN
SPLIT = 104
LANES = 16
VPR = EMBED_DIM // LANES
NBUF = 4
SKEW = 3

_mesh = plsc.VectorSubcoreMesh(core_axis_name="c", subcore_axis_name="s")


@functools.partial(
    pl.kernel,
    out_type=jax.ShapeDtypeStruct((BATCH, SEQ_LEN, EMBED_DIM), jnp.float32),
    mesh=_mesh,
    compiler_params=pltpu.CompilerParams(use_tc_tiling_on_sc=False),
    scratch_types=[
        pltpu.VMEM((PER_W,), jnp.int32),
        pltpu.VMEM((MAX_LEN, EMBED_DIM), jnp.float32),
        [pltpu.VMEM((CHUNK, EMBED_DIM), jnp.float32) for _ in range(NBUF)],
        [pltpu.SemaphoreType.DMA for _ in range(NBUF)],
        [pltpu.SemaphoreType.DMA for _ in range(NBUF)],
    ],
)
def _embed_sc(idx_hbm, tok_hbm, pos_hbm, out_hbm, idx_v, pos_v, data, gsem, ssem):
    wid = lax.axis_index("s") * NC + lax.axis_index("c")
    base = wid * PER_W
    seq0 = wid * SEQ_PER_W

    pltpu.sync_copy(idx_hbm.at[pl.ds(pl.multiple_of(base, 8), PER_W)], idx_v)
    pltpu.sync_copy(pos_hbm, pos_v)

    def gather_start(c, b):
        lo = pl.multiple_of(c * CHUNK, 8)
        hi = pl.multiple_of(c * CHUNK + SPLIT, 8)
        pltpu.make_async_copy(
            tok_hbm.at[idx_v.at[pl.ds(lo, SPLIT)]],
            data[b].at[pl.ds(0, SPLIT)], gsem[b],
        ).start()
        pltpu.make_async_copy(
            tok_hbm.at[idx_v.at[pl.ds(hi, CHUNK - SPLIT)]],
            data[b].at[pl.ds(SPLIT, CHUNK - SPLIT)], gsem[b],
        ).start()

    def gather_wait(b):
        pltpu.make_async_copy(
            tok_hbm.at[idx_v.at[pl.ds(0, CHUNK)]], data[b], gsem[b]
        ).wait()

    def scatter_start(c, b):
        pltpu.make_async_copy(data[b], out_hbm.at[seq0 + c], ssem[b]).start()

    def scatter_wait(b):
        pltpu.make_async_copy(data[b], out_hbm.at[seq0], ssem[b]).wait()

    for b in range(SKEW):
        gather_start(b, b)

    def outer(g, carry):
        for b in range(NBUF):
            c = NBUF * g + b
            gather_wait(b)

            def row_body(r, carry2):
                for j in range(VPR):
                    sl = pl.ds(j * LANES, LANES)
                    data[b][r, sl] = data[b][r, sl] + pos_v[r, sl]
                return carry2

            lax.fori_loop(0, CHUNK, row_body, 0, unroll=4)
            scatter_start(c, b)

            f = c + SKEW
            bf = (b + SKEW) % NBUF

            @pl.when(jnp.logical_and(c >= 1, f < SEQ_PER_W))
            def _():
                scatter_wait(bf)

            @pl.when(f < SEQ_PER_W)
            def _():
                gather_start(f, bf)

        return carry

    lax.fori_loop(0, SEQ_PER_W // NBUF, outer, 0)

    for b in range(NBUF):
        scatter_wait(b)


def kernel(inputs, token_table, position_table):
    flat = inputs.reshape(N)
    return _embed_sc(flat, token_table, position_table)

# --- scband reference (transcript-rebuilt; emitter-appended) ---
"""Pipeline reference for scband-token-and-position-embedding-10806137717314 (READ-ONLY COPY).

The authoritative reference and input builder live on the scoring server;
editing this copy changes nothing except your own understanding.
"""

import jax, jax.numpy as jnp
import numpy as np

VOCAB = 1000000
MAX_LEN = 200
EMBED_DIM = 64
BATCH = 1024
SEQ_LEN = 200


def setup_inputs(seed: int = 0) -> dict:
    key = jax.random.key(seed)
    k1, k2, k3 = jax.random.split(key, 3)
    inputs = jax.random.randint(k1, (BATCH, SEQ_LEN), 0, VOCAB, dtype=jnp.int64 if jax.config.jax_enable_x64 else jnp.int32)
    # glorot_uniform-style init for token embedding table
    limit = np.sqrt(6.0 / (VOCAB + EMBED_DIM))
    token_table = jax.random.uniform(k2, (VOCAB, EMBED_DIM), minval=-limit, maxval=limit, dtype=jnp.float32)
    pos_limit = np.sqrt(6.0 / (MAX_LEN + EMBED_DIM))
    position_table = jax.random.uniform(k3, (MAX_LEN, EMBED_DIM), minval=-pos_limit, maxval=pos_limit, dtype=jnp.float32)
    return {"inputs": inputs, "token_table": token_table, "position_table": position_table}


def reference(inputs, token_table, position_table):
    # token embedding: gather rows from the table
    embedded_tokens = jnp.take(token_table, inputs, axis=0)  # [B, L, D]
    seq_len = embedded_tokens.shape[-2]
    # position embedding: slice the position table to the input sequence length
    embedded_positions = jax.lax.dynamic_slice(position_table, (0, 0), (seq_len, position_table.shape[-1]))  # [L, D]
    embedded_positions = jnp.broadcast_to(embedded_positions[None, :, :], embedded_tokens.shape)
    outputs = embedded_tokens + embedded_positions
    return outputs

if __name__ == "__main__":
    import jax
    _d = setup_inputs()
    print(jax.jit(kernel)(*tuple(_d.values())))

</pallas_src>

<mosaic_0001>
#map = affine_map<(d0, d1) -> (0)>
#map1 = affine_map<(d0, d1) -> (0, 0)>
#map2 = affine_map<(d0, d1) -> (0, 0, 0)>
module attributes {stable_mosaic.version = 14 : i64} {
  func.func @_embed_sc(%arg0: i32, %arg1: i32, %arg2: memref<204800xi32, #tpu.memory_space<hbm>>, %arg3: memref<1000000x64xf32, #tpu.memory_space<hbm>>, %arg4: memref<200x64xf32, #tpu.memory_space<hbm>>, %arg5: memref<1024x200x64xf32, #tpu.memory_space<hbm>>, %arg6: memref<6400xi32, #tpu.memory_space<vmem>>, %arg7: memref<200x64xf32, #tpu.memory_space<vmem>>, %arg8: memref<200x64xf32, #tpu.memory_space<vmem>>, %arg9: memref<200x64xf32, #tpu.memory_space<vmem>>, %arg10: memref<200x64xf32, #tpu.memory_space<vmem>>, %arg11: memref<200x64xf32, #tpu.memory_space<vmem>>, %arg12: memref<!tpu.dma_semaphore, #tpu.memory_space<semaphore_mem>>, %arg13: memref<!tpu.dma_semaphore, #tpu.memory_space<semaphore_mem>>, %arg14: memref<!tpu.dma_semaphore, #tpu.memory_space<semaphore_mem>>, %arg15: memref<!tpu.dma_semaphore, #tpu.memory_space<semaphore_mem>>, %arg16: memref<!tpu.dma_semaphore, #tpu.memory_space<semaphore_mem>>, %arg17: memref<!tpu.dma_semaphore, #tpu.memory_space<semaphore_mem>>, %arg18: memref<!tpu.dma_semaphore, #tpu.memory_space<semaphore_mem>>, %arg19: memref<!tpu.dma_semaphore, #tpu.memory_space<semaphore_mem>>) attributes {dimension_semantics = [#tpu.dimension_semantics<core_parallel>, #tpu.dimension_semantics<subcore_parallel>], iteration_bounds = array<i64: 2, 16>, scalar_prefetch = 0 : i64, scratch_operands = 14 : i64, tpu.core_type = #tpu.core_type<sc_vector_subcore>, window_params = [{transform_indices = #map}, {transform_indices = #map1}, {transform_indices = #map1}, {transform_indices = #map2}]} {
    %mul3A = arith.constant 2 : i32
    %mul3A_0 = arith.muli %arg1, %mul3A : i32
    %add3A = arith.addi %mul3A_0, %arg0 : i32
    %mul3A_1 = arith.constant 6400 : i32
    %mul3A_2 = arith.muli %add3A, %mul3A_1 : i32
    %mul3A_3 = arith.constant 32 : i32
    %mul3A_4 = arith.muli %add3A, %mul3A_3 : i32
    %multiple_of3A = tpu.assume_multiple %mul3A_2, 8 : i32
    "tpu.region"() ({
      %run_scoped3A = tpu.sem_alloc : memref<!tpu.dma_semaphore, #tpu.memory_space<semaphore_mem>>
      %dma_start3A_94 = tpu.memref_slice %arg2[%multiple_of3A] : memref<204800xi32, #tpu.memory_space<hbm>> -> memref<6400xi32, #tpu.memory_space<hbm>>
      %dma_start3A_95 = tpu.memref_slice %arg2[%multiple_of3A] : memref<204800xi32, #tpu.memory_space<hbm>> -> memref<6400xi32, #tpu.memory_space<hbm>>
      tpu.enqueue_dma source(%dma_start3A_95 : memref<6400xi32, #tpu.memory_space<hbm>>) target(%arg6 : memref<6400xi32, #tpu.memory_space<vmem>>) target_semaphore(%run_scoped3A : memref<!tpu.dma_semaphore, #tpu.memory_space<semaphore_mem>>)
      %dma_wait3A_96 = tpu.memref_slice %arg2[%multiple_of3A] : memref<204800xi32, #tpu.memory_space<hbm>> -> memref<6400xi32, #tpu.memory_space<hbm>>
      %dma_wait3A_97 = tpu.memref_slice %arg2[%multiple_of3A] : memref<204800xi32, #tpu.memory_space<hbm>> -> memref<6400xi32, #tpu.memory_space<hbm>>
      tpu.wait_dma2 semaphore(%run_scoped3A : memref<!tpu.dma_semaphore, #tpu.memory_space<semaphore_mem>>) src(%dma_wait3A_97 : memref<6400xi32, #tpu.memory_space<hbm>>) dst(%arg6 : memref<6400xi32, #tpu.memory_space<vmem>>)
      tpu.yield
    }) : () -> ()
    "tpu.region"() ({
      %run_scoped3A = tpu.sem_alloc : memref<!tpu.dma_semaphore, #tpu.memory_space<semaphore_mem>>
      tpu.enqueue_dma source(%arg4 : memref<200x64xf32, #tpu.memory_space<hbm>>) target(%arg7 : memref<200x64xf32, #tpu.memory_space<vmem>>) target_semaphore(%run_scoped3A : memref<!tpu.dma_semaphore, #tpu.memory_space<semaphore_mem>>)
      tpu.wait_dma2 semaphore(%run_scoped3A : memref<!tpu.dma_semaphore, #tpu.memory_space<semaphore_mem>>) src(%arg4 : memref<200x64xf32, #tpu.memory_space<hbm>>) dst(%arg7 : memref<200x64xf32, #tpu.memory_space<vmem>>)
      tpu.yield
    }) : () -> ()
    %multiple_of3A_5 = arith.constant 0 : i32
    %multiple_of3A_6 = tpu.assume_multiple %multiple_of3A_5, 8 : i32
    %multiple_of3A_7 = arith.constant 104 : i32
    %multiple_of3A_8 = tpu.assume_multiple %multiple_of3A_7, 8 : i32
    %dma_start3A = arith.constant 0 : i32
    %dma_start3A_9 = arith.constant 0 : i32
    %dma_start3A_10 = tpu.memref_slice %arg8[%dma_start3A, %dma_start3A_9] : memref<200x64xf32, #tpu.memory_space<vmem>> -> memref<104x64xf32, #tpu.memory_space<vmem>>
    %dma_start3A_11 = tpu.memref_slice %arg6[%multiple_of3A_6] : memref<6400xi32, #tpu.memory_space<vmem>> -> memref<104xi32, #tpu.memory_space<vmem>>
    %dma_start3A_12 = arith.constant 0 : i32
    %dma_start3A_13 = arith.constant 0 : i32
    %dma_start3A_14 = tpu.memref_slice %arg3[%dma_start3A_12, %dma_start3A_13] : memref<1000000x64xf32, #tpu.memory_space<hbm>> -> memref<1000000x64xf32, #tpu.memory_space<hbm>>
    tpu.enqueue_indirect_dma source(%dma_start3A_14 : memref<1000000x64xf32, #tpu.memory_space<hbm>>) target(%dma_start3A_10 : memref<104x64xf32, #tpu.memory_space<vmem>>) offsets(%dma_start3A_11 : memref<104xi32, #tpu.memory_space<vmem>>) semaphore(%arg12 : memref<!tpu.dma_semaphore, #tpu.memory_space<semaphore_mem>>)
    %dma_start3A_15 = arith.constant 104 : i32
    %dma_start3A_16 = arith.constant 0 : i32
    %dma_start3A_17 = tpu.memref_slice %arg8[%dma_start3A_15, %dma_start3A_16] : memref<200x64xf32, #tpu.memory_space<vmem>> -> memref<96x64xf32, #tpu.memory_space<vmem>>
    %dma_start3A_18 = tpu.memref_slice %arg6[%multiple_of3A_8] : memref<6400xi32, #tpu.memory_space<vmem>> -> memref<96xi32, #tpu.memory_space<vmem>>
    %dma_start3A_19 = arith.constant 0 : i32
    %dma_start3A_20 = arith.constant 0 : i32
    %dma_start3A_21 = tpu.memref_slice %arg3[%dma_start3A_19, %dma_start3A_20] : memref<1000000x64xf32, #tpu.memory_space<hbm>> -> memref<1000000x64xf32, #tpu.memory_space<hbm>>
    tpu.enqueue_indirect_dma source(%dma_start3A_21 : memref<1000000x64xf32, #tpu.memory_space<hbm>>) target(%dma_start3A_17 : memref<96x64xf32, #tpu.memory_space<vmem>>) offsets(%dma_start3A_18 : memref<96xi32, #tpu.memory_space<vmem>>) semaphore(%arg12 : memref<!tpu.dma_semaphore, #tpu.memory_space<semaphore_mem>>)
    %multiple_of3A_22 = arith.constant 200 : i32
    %multiple_of3A_23 = tpu.assume_multiple %multiple_of3A_22, 8 : i32
    %multiple_of3A_24 = arith.constant 304 : i32
    %multiple_of3A_25 = tpu.assume_multiple %multiple_of3A_24, 8 : i32
    %dma_start3A_26 = arith.constant 0 : i32
    %dma_start3A_27 = arith.constant 0 : i32
    %dma_start3A_28 = tpu.memref_slice %arg9[%dma_start3A_26, %dma_start3A_27] : memref<200x64xf32, #tpu.memory_space<vmem>> -> memref<104x64xf32, #tpu.memory_space<vmem>>
    %dma_start3A_29 = tpu.memref_slice %arg6[%multiple_of3A_23] : memref<6400xi32, #tpu.memory_space<vmem>> -> memref<104xi32, #tpu.memory_space<vmem>>
    %dma_start3A_30 = arith.constant 0 : i32
    %dma_start3A_31 = arith.constant 0 : i32
    %dma_start3A_32 = tpu.memref_slice %arg3[%dma_start3A_30, %dma_start3A_31] : memref<1000000x64xf32, #tpu.memory_space<hbm>> -> memref<1000000x64xf32, #tpu.memory_space<hbm>>
    tpu.enqueue_indirect_dma source(%dma_start3A_32 : memref<1000000x64xf32, #tpu.memory_space<hbm>>) target(%dma_start3A_28 : memref<104x64xf32, #tpu.memory_space<vmem>>) offsets(%dma_start3A_29 : memref<104xi32, #tpu.memory_space<vmem>>) semaphore(%arg13 : memref<!tpu.dma_semaphore, #tpu.memory_space<semaphore_mem>>)
    %dma_start3A_33 = arith.constant 104 : i32
    %dma_start3A_34 = arith.constant 0 : i32
    %dma_start3A_35 = tpu.memref_slice %arg9[%dma_start3A_33, %dma_start3A_34] : memref<200x64xf32, #tpu.memory_space<vmem>> -> memref<96x64xf32, #tpu.memory_space<vmem>>
    %dma_start3A_36 = tpu.memref_slice %arg6[%multiple_of3A_25] : memref<6400xi32, #tpu.memory_space<vmem>> -> memref<96xi32, #tpu.memory_space<vmem>>
    %dma_start3A_37 = arith.constant 0 : i32
    %dma_start3A_38 = arith.constant 0 : i32
    %dma_start3A_39 = tpu.memref_slice %arg3[%dma_start3A_37, %dma_start3A_38] : memref<1000000x64xf32, #tpu.memory_space<hbm>> -> memref<1000000x64xf32, #tpu.memory_space<hbm>>
    tpu.enqueue_indirect_dma source(%dma_start3A_39 : memref<1000000x64xf32, #tpu.memory_space<hbm>>) target(%dma_start3A_35 : memref<96x64xf32, #tpu.memory_space<vmem>>) offsets(%dma_start3A_36 : memref<96xi32, #tpu.memory_space<vmem>>) semaphore(%arg13 : memref<!tpu.dma_semaphore, #tpu.memory_space<semaphore_mem>>)
    %multiple_of3A_40 = arith.constant 400 : i32
    %multiple_of3A_41 = tpu.assume_multiple %multiple_of3A_40, 8 : i32
    %multiple_of3A_42 = arith.constant 504 : i32
    %multiple_of3A_43 = tpu.assume_multiple %multiple_of3A_42, 8 : i32
    %dma_start3A_44 = arith.constant 0 : i32
    %dma_start3A_45 = arith.constant 0 : i32
    %dma_start3A_46 = tpu.memref_slice %arg10[%dma_start3A_44, %dma_start3A_45] : memref<200x64xf32, #tpu.memory_space<vmem>> -> memref<104x64xf32, #tpu.memory_space<vmem>>
    %dma_start3A_47 = tpu.memref_slice %arg6[%multiple_of3A_41] : memref<6400xi32, #tpu.memory_space<vmem>> -> memref<104xi32, #tpu.memory_space<vmem>>
    %dma_start3A_48 = arith.constant 0 : i32
    %dma_start3A_49 = arith.constant 0 : i32
    %dma_start3A_50 = tpu.memref_slice %arg3[%dma_start3A_48, %dma_start3A_49] : memref<1000000x64xf32, #tpu.memory_space<hbm>> -> memref<1000000x64xf32, #tpu.memory_space<hbm>>
    tpu.enqueue_indirect_dma source(%dma_start3A_50 : memref<1000000x64xf32, #tpu.memory_space<hbm>>) target(%dma_start3A_46 : memref<104x64xf32, #tpu.memory_space<vmem>>) offsets(%dma_start3A_47 : memref<104xi32, #tpu.memory_space<vmem>>) semaphore(%arg14 : memref<!tpu.dma_semaphore, #tpu.memory_space<semaphore_mem>>)
    %dma_start3A_51 = arith.constant 104 : i32
    %dma_start3A_52 = arith.constant 0 : i32
    %dma_start3A_53 = tpu.memref_slice %arg10[%dma_start3A_51, %dma_start3A_52] : memref<200x64xf32, #tpu.memory_space<vmem>> -> memref<96x64xf32, #tpu.memory_space<vmem>>
    %dma_start3A_54 = tpu.memref_slice %arg6[%multiple_of3A_43] : memref<6400xi32, #tpu.memory_space<vmem>> -> memref<96xi32, #tpu.memory_space<vmem>>
    %dma_start3A_55 = arith.constant 0 : i32
    %dma_start3A_56 = arith.constant 0 : i32
    %dma_start3A_57 = tpu.memref_slice %arg3[%dma_start3A_55, %dma_start3A_56] : memref<1000000x64xf32, #tpu.memory_space<hbm>> -> memref<1000000x64xf32, #tpu.memory_space<hbm>>
    tpu.enqueue_indirect_dma source(%dma_start3A_57 : memref<1000000x64xf32, #tpu.memory_space<hbm>>) target(%dma_start3A_53 : memref<96x64xf32, #tpu.memory_space<vmem>>) offsets(%dma_start3A_54 : memref<96xi32, #tpu.memory_space<vmem>>) semaphore(%arg14 : memref<!tpu.dma_semaphore, #tpu.memory_space<semaphore_mem>>)
    %scan3A = arith.constant 0 : i32
    %scan3A_58 = arith.constant 0 : i32
    %scan3A_59 = arith.constant 8 : i32
    %scan3A_60 = arith.addi %scan3A_58, %scan3A_59 : i32
    %scan3A_61 = arith.constant 1 : i32
    scf.for %scan3A_94 = %scan3A_58 to %scan3A_60 step %scan3A_61  : i32 {
      %mul3A_95 = arith.constant 4 : i32
      %mul3A_96 = arith.muli %mul3A_95, %scan3A_94 : i32
      %add3A_97 = arith.constant 0 : i32
      %add3A_98 = arith.addi %mul3A_96, %add3A_97 : i32
      %dma_wait3A_99 = arith.constant 0 : i32
      %dma_wait3A_100 = tpu.memref_slice %arg6[%dma_wait3A_99] : memref<6400xi32, #tpu.memory_space<vmem>> -> memref<200xi32, #tpu.memory_space<vmem>>
      %dma_wait3A_101 = arith.constant 0 : i32
      %dma_wait3A_102 = arith.constant 0 : i32
      %dma_wait3A_103 = tpu.memref_slice %arg3[%dma_wait3A_101, %dma_wait3A_102] : memref<1000000x64xf32, #tpu.memory_space<hbm>> -> memref<1000000x64xf32, #tpu.memory_space<hbm>>
      tpu.wait_indirect_dma semaphore(%arg12 : memref<!tpu.dma_semaphore, #tpu.memory_space<semaphore_mem>>) src(%dma_wait3A_103 : memref<1000000x64xf32, #tpu.memory_space<hbm>>) dst(%arg8 : memref<200x64xf32, #tpu.memory_space<vmem>>)
      %scan3A_104 = arith.constant 0 : i32
      %scan3A_105 = arith.constant 0 : i32
      %scan3A_106 = arith.constant 200 : i32
      %scan3A_107 = arith.addi %scan3A_105, %scan3A_106 : i32
      %scan3A_108 = arith.constant 4 : i32
      scf.for %scan3A_246 = %scan3A_105 to %scan3A_107 step %scan3A_108  : i32 {
        %get3A = arith.index_cast %scan3A_246 : i32 to index
        %get3A_247 = arith.constant 0 : index
        %get3A_248 = tpu.vector_load %arg8[%get3A, %get3A_247] {strides = array<i32>} : memref<200x64xf32, #tpu.memory_space<vmem>>, vector<1x16xf32>,
        %get3A_249 = vector.shape_cast %get3A_248 : vector<1x16xf32> to vector<16xf32>
        %get3A_250 = arith.index_cast %scan3A_246 : i32 to index
        %get3A_251 = arith.constant 0 : index
        %get3A_252 = tpu.vector_load %arg7[%get3A_250, %get3A_251] {strides = array<i32>} : memref<200x64xf32, #tpu.memory_space<vmem>>, vector<1x16xf32>,
        %get3A_253 = vector.shape_cast %get3A_252 : vector<1x16xf32> to vector<16xf32>
        %add3A_254 = arith.addf %get3A_249, %get3A_253 : vector<16xf32>
        %swap3A = arith.index_cast %scan3A_246 : i32 to index
        %swap3A_255 = arith.constant 0 : index
        %swap3A_256 = tpu.vector_load %arg8[%swap3A, %swap3A_255] {strides = array<i32>} : memref<200x64xf32, #tpu.memory_space<vmem>>, vector<1x16xf32>,
        %swap3A_257 = vector.shape_cast %swap3A_256 : vector<1x16xf32> to vector<16xf32>
        %swap3A_258 = vector.shape_cast %add3A_254 : vector<16xf32> to vector<1x16xf32>
        tpu.vector_store %arg8[%swap3A, %swap3A_255], %swap3A_258 {strides = array<i32>} : memref<200x64xf32, #tpu.memory_space<vmem>>, vector<1x16xf32>,
        %get3A_259 = arith.index_cast %scan3A_246 : i32 to index
        %get3A_260 = arith.constant 16 : index
        %get3A_261 = tpu.vector_load %arg8[%get3A_259, %get3A_260] {strides = array<i32>} : memref<200x64xf32, #tpu.memory_space<vmem>>, vector<1x16xf32>,
        %get3A_262 = vector.shape_cast %get3A_261 : vector<1x16xf32> to vector<16xf32>
        %get3A_263 = arith.index_cast %scan3A_246 : i32 to index
        %get3A_264 = arith.constant 16 : index
        %get3A_265 = tpu.vector_load %arg7[%get3A_263, %get3A_264] {strides = array<i32>} : memref<200x64xf32, #tpu.memory_space<vmem>>, vector<1x16xf32>,
        %get3A_266 = vector.shape_cast %get3A_265 : vector<1x16xf32> to vector<16xf32>
        %add3A_267 = arith.addf %get3A_262, %get3A_266 : vector<16xf32>
        %swap3A_268 = arith.index_cast %scan3A_246 : i32 to index
        %swap3A_269 = arith.constant 16 : index
        %swap3A_270 = tpu.vector_load %arg8[%swap3A_268, %swap3A_269] {strides = array<i32>} : memref<200x64xf32, #tpu.memory_space<vmem>>, vector<1x16xf32>,
        %swap3A_271 = vector.shape_cast %swap3A_270 : vector<1x16xf32> to vector<16xf32>
        %swap3A_272 = vector.shape_cast %add3A_267 : vector<16xf32> to vector<1x16xf32>
        tpu.vector_store %arg8[%swap3A_268, %swap3A_269], %swap3A_272 {strides = array<i32>} : memref<200x64xf32, #tpu.memory_space<vmem>>, vector<1x16xf32>,
        %get3A_273 = arith.index_cast %scan3A_246 : i32 to index
        %get3A_274 = arith.constant 32 : index
        %get3A_275 = tpu.vector_load %arg8[%get3A_273, %get3A_274] {strides = array<i32>} : memref<200x64xf32, #tpu.memory_space<vmem>>, vector<1x16xf32>,
        %get3A_276 = vector.shape_cast %get3A_275 : vector<1x16xf32> to vector<16xf32>
        %get3A_277 = arith.index_cast %scan3A_246 : i32 to index
        %get3A_278 = arith.constant 32 : index
        %get3A_279 = tpu.vector_load %arg7[%get3A_277, %get3A_278] {strides = array<i32>} : memref<200x64xf32, #tpu.memory_space<vmem>>, vector<1x16xf32>,
        %get3A_280 = vector.shape_cast %get3A_279 : vector<1x16xf32> to vector<16xf32>
        %add3A_281 = arith.addf %get3A_276, %get3A_280 : vector<16xf32>
        %swap3A_282 = arith.index_cast %scan3A_246 : i32 to index
        %swap3A_283 = arith.constant 32 : index
        %swap3A_284 = tpu.vector_load %arg8[%swap3A_282, %swap3A_283] {strides = array<i32>} : memref<200x64xf32, #tpu.memory_space<vmem>>, vector<1x16xf32>,
        %swap3A_285 = vector.shape_cast %swap3A_284 : vector<1x16xf32> to vector<16xf32>
        %swap3A_286 = vector.shape_cast %add3A_281 : vector<16xf32> to vector<1x16xf32>
        tpu.vector_store %arg8[%swap3A_282, %swap3A_283], %swap3A_286 {strides = array<i32>} : memref<200x64xf32, #tpu.memory_space<vmem>>, vector<1x16xf32>,
        %get3A_287 = arith.index_cast %scan3A_246 : i32 to index
        %get3A_288 = arith.constant 48 : index
        %get3A_289 = tpu.vector_load %arg8[%get3A_287, %get3A_288] {strides = array<i32>} : memref<200x64xf32, #tpu.memory_space<vmem>>, vector<1x16xf32>,
        %get3A_290 = vector.shape_cast %get3A_289 : vector<1x16xf32> to vector<16xf32>
        %get3A_291 = arith.index_cast %scan3A_246 : i32 to index
        %get3A_292 = arith.constant 48 : index
        %get3A_293 = tpu.vector_load %arg7[%get3A_291, %get3A_292] {strides = array<i32>} : memref<200x64xf32, #tpu.memory_space<vmem>>, vector<1x16xf32>,
        %get3A_294 = vector.shape_cast %get3A_293 : vector<1x16xf32> to vector<16xf32>
        %add3A_295 = arith.addf %get3A_290, %get3A_294 : vector<16xf32>
        %swap3A_296 = arith.index_cast %scan3A_246 : i32 to index
        %swap3A_297 = arith.constant 48 : index
        %swap3A_298 = tpu.vector_load %arg8[%swap3A_296, %swap3A_297] {strides = array<i32>} : memref<200x64xf32, #tpu.memory_space<vmem>>, vector<1x16xf32>,
        %swap3A_299 = vector.shape_cast %swap3A_298 : vector<1x16xf32> to vector<16xf32>
        %swap3A_300 = vector.shape_cast %add3A_295 : vector<16xf32> to vector<1x16xf32>
        tpu.vector_store %arg8[%swap3A_296, %swap3A_297], %swap3A_300 {strides = array<i32>} : memref<200x64xf32, #tpu.memory_space<vmem>>, vector<1x16xf32>,
        %scan3A_301 = arith.constant 1 : i32
        %scan3A_302 = arith.addi %scan3A_246, %scan3A_301 : i32
        %get3A_303 = arith.index_cast %scan3A_302 : i32 to index
        %get3A_304 = arith.constant 0 : index
        %get3A_305 = tpu.vector_load %arg8[%get3A_303, %get3A_304] {strides = array<i32>} : memref<200x64xf32, #tpu.memory_space<vmem>>, vector<1x16xf32>,
        %get3A_306 = vector.shape_cast %get3A_305 : vector<1x16xf32> to vector<16xf32>
        %get3A_307 = arith.index_cast %scan3A_302 : i32 to index
        %get3A_308 = arith.constant 0 : index
        %get3A_309 = tpu.vector_load %arg7[%get3A_307, %get3A_308] {strides = array<i32>} : memref<200x64xf32, #tpu.memory_space<vmem>>, vector<1x16xf32>,
        %get3A_310 = vector.shape_cast %get3A_309 : vector<1x16xf32> to vector<16xf32>
        %add3A_311 = arith.addf %get3A_306, %get3A_310 : vector<16xf32>
        %swap3A_312 = arith.index_cast %scan3A_302 : i32 to index
        %swap3A_313 = arith.constant 0 : index
        %swap3A_314 = tpu.vector_load %arg8[%swap3A_312, %swap3A_313] {strides = array<i32>} : memref<200x64xf32, #tpu.memory_space<vmem>>, vector<1x16xf32>,
        %swap3A_315 = vector.shape_cast %swap3A_314 : vector<1x16xf32> to vector<16xf32>
        %swap3A_316 = vector.shape_cast %add3A_311 : vector<16xf32> to vector<1x16xf32>
        tpu.vector_store %arg8[%swap3A_312, %swap3A_313], %swap3A_316 {strides = array<i32>} : memref<200x64xf32, #tpu.memory_space<vmem>>, vector<1x16xf32>,
        %get3A_317 = arith.index_cast %scan3A_302 : i32 to index
        %get3A_318 = arith.constant 16 : index
        %get3A_319 = tpu.vector_load %arg8[%get3A_317, %get3A_318] {strides = array<i32>} : memref<200x64xf32, #tpu.memory_space<vmem>>, vector<1x16xf32>,
        %get3A_320 = vector.shape_cast %get3A_319 : vector<1x16xf32> to vector<16xf32>
        %get3A_321 = arith.index_cast %scan3A_302 : i32 to index
        %get3A_322 = arith.constant 16 : index
        %get3A_323 = tpu.vector_load %arg7[%get3A_321, %get3A_322] {strides = array<i32>} : memref<200x64xf32, #tpu.memory_space<vmem>>, vector<1x16xf32>,
        %get3A_324 = vector.shape_cast %get3A_323 : vector<1x16xf32> to vector<16xf32>
        %add3A_325 = arith.addf %get3A_320, %get3A_324 : vector<16xf32>
        %swap3A_326 = arith.index_cast %scan3A_302 : i32 to index
        %swap3A_327 = arith.constant 16 : index
        %swap3A_328 = tpu.vector_load %arg8[%swap3A_326, %swap3A_327] {strides = array<i32>} : memref<200x64xf32, #tpu.memory_space<vmem>>, vector<1x16xf32>,
        %swap3A_329 = vector.shape_cast %swap3A_328 : vector<1x16xf32> to vector<16xf32>
        %swap3A_330 = vector.shape_cast %add3A_325 : vector<16xf32> to vector<1x16xf32>
        tpu.vector_store %arg8[%swap3A_326, %swap3A_327], %swap3A_330 {strides = array<i32>} : memref<200x64xf32, #tpu.memory_space<vmem>>, vector<1x16xf32>,
        %get3A_331 = arith.index_cast %scan3A_302 : i32 to index
        %get3A_332 = arith.constant 32 : index
        %get3A_333 = tpu.vector_load %arg8[%get3A_331, %get3A_332] {strides = array<i32>} : memref<200x64xf32, #tpu.memory_space<vmem>>, vector<1x16xf32>,
        %get3A_334 = vector.shape_cast %get3A_333 : vector<1x16xf32> to vector<16xf32>
        %get3A_335 = arith.index_cast %scan3A_302 : i32 to index
        %get3A_336 = arith.constant 32 : index
        %get3A_337 = tpu.vector_load %arg7[%get3A_335, %get3A_336] {strides = array<i32>} : memref<200x64xf32, #tpu.memory_space<vmem>>, vector<1x16xf32>,
        %get3A_338 = vector.shape_cast %get3A_337 : vector<1x16xf32> to vector<16xf32>
        %add3A_339 = arith.addf %get3A_334, %get3A_338 : vector<16xf32>
        %swap3A_340 = arith.index_cast %scan3A_302 : i32 to index
        %swap3A_341 = arith.constant 32 : index
        %swap3A_342 = tpu.vector_load %arg8[%swap3A_340, %swap3A_341] {strides = array<i32>} : memref<200x64xf32, #tpu.memory_space<vmem>>, vector<1x16xf32>,
        %swap3A_343 = vector.shape_cast %swap3A_342 : vector<1x16xf32> to vector<16xf32>
        %swap3A_344 = vector.shape_cast %add3A_339 : vector<16xf32> to vector<1x16xf32>
        tpu.vector_store %arg8[%swap3A_340, %swap3A_341], %swap3A_344 {strides = array<i32>} : memref<200x64xf32, #tpu.memory_space<vmem>>, vector<1x16xf32>,
        %get3A_345 = arith.index_cast %scan3A_302 : i32 to index
        %get3A_346 = arith.constant 48 : index
        %get3A_347 = tpu.vector_load %arg8[%get3A_345, %get3A_346] {strides = array<i32>} : memref<200x64xf32, #tpu.memory_space<vmem>>, vector<1x16xf32>,
        %get3A_348 = vector.shape_cast %get3A_347 : vector<1x16xf32> to vector<16xf32>
        %get3A_349 = arith.index_cast %scan3A_302 : i32 to index
        %get3A_350 = arith.constant 48 : index
        %get3A_351 = tpu.vector_load %arg7[%get3A_349, %get3A_350] {strides = array<i32>} : memref<200x64xf32, #tpu.memory_space<vmem>>, vector<1x16xf32>,
        %get3A_352 = vector.shape_cast %get3A_351 : vector<1x16xf32> to vector<16xf32>
        %add3A_353 = arith.addf %get3A_348, %get3A_352 : vector<16xf32>
        %swap3A_354 = arith.index_cast %scan3A_302 : i32 to index
        %swap3A_355 = arith.constant 48 : index
        %swap3A_356 = tpu.vector_load %arg8[%swap3A_354, %swap3A_355] {strides = array<i32>} : memref<200x64xf32, #tpu.memory_space<vmem>>, vector<1x16xf32>,
        %swap3A_357 = vector.shape_cast %swap3A_356 : vector<1x16xf32> to vector<16xf32>
        %swap3A_358 = vector.shape_cast %add3A_353 : vector<16xf32> to vector<1x16xf32>
        tpu.vector_store %arg8[%swap3A_354, %swap3A_355], %swap3A_358 {strides = array<i32>} : memref<200x64xf32, #tpu.memory_space<vmem>>, vector<1x16xf32>,
        %scan3A_359 = arith.constant 2 : i32
        %scan3A_360 = arith.addi %scan3A_246, %scan3A_359 : i32
        %get3A_361 = arith.index_cast %scan3A_360 : i32 to index
        %get3A_362 = arith.constant 0 : index
        %get3A_363 = tpu.vector_load %arg8[%get3A_361, %get3A_362] {strides = array<i32>} : memref<200x64xf32, #tpu.memory_space<vmem>>, vector<1x16xf32>,
        %get3A_364 = vector.shape_cast %get3A_363 : vector<1x16xf32> to vector<16xf32>
        %get3A_365 = arith.index_cast %scan3A_360 : i32 to index
        %get3A_366 = arith.constant 0 : index
        %get3A_367 = tpu.vector_load %arg7[%get3A_365, %get3A_366] {strides = array<i32>} : memref<200x64xf32, #tpu.memory_space<vmem>>, vector<1x16xf32>,
        %get3A_368 = vector.shape_cast %get3A_367 : vector<1x16xf32> to vector<16xf32>
        %add3A_369 = arith.addf %get3A_364, %get3A_368 : vector<16xf32>
        %swap3A_370 = arith.index_cast %scan3A_360 : i32 to index
        %swap3A_371 = arith.constant 0 : index
        %swap3A_372 = tpu.vector_load %arg8[%swap3A_370, %swap3A_371] {strides = array<i32>} : memref<200x64xf32, #tpu.memory_space<vmem>>, vector<1x16xf32>,
        %swap3A_373 = vector.shape_cast %swap3A_372 : vector<1x16xf32> to vector<16xf32>
        %swap3A_374 = vector.shape_cast %add3A_369 : vector<16xf32> to vector<1x16xf32>
        tpu.vector_store %arg8[%swap3A_370, %swap3A_371], %swap3A_374 {strides = array<i32>} : memref<200x64xf32, #tpu.memory_space<vmem>>, vector<1x16xf32>,
        %get3A_375 = arith.index_cast %scan3A_360 : i32 to index
        %get3A_376 = arith.constant 16 : index
        %get3A_377 = tpu.vector_load %arg8[%get3A_375, %get3A_376] {strides = array<i32>} : memref<200x64xf32, #tpu.memory_space<vmem>>, vector<1x16xf32>,
        %get3A_378 = vector.shape_cast %get3A_377 : vector<1x16xf32> to vector<16xf32>
        %get3A_379 = arith.index_cast %scan3A_360 : i32 to index
        %get3A_380 = arith.constant 16 : index
        %get3A_381 = tpu.vector_load %arg7[%get3A_379, %get3A_380] {strides = array<i32>} : memref<200x64xf32, #tpu.memory_space<vmem>>, vector<1x16xf32>,
        %get3A_382 = vector.shape_cast %get3A_381 : vector<1x16xf32> to vector<16xf32>
        %add3A_383 = arith.addf %get3A_378, %get3A_382 : vector<16xf32>
        %swap3A_384 = arith.index_cast %scan3A_360 : i32 to index
        %swap3A_385 = arith.constant 16 : index
        %swap3A_386 = tpu.vector_load %arg8[%swap3A_384, %swap3A_385] {strides = array<i32>} : memref<200x64xf32, #tpu.memory_space<vmem>>, vector<1x16xf32>,
        %swap3A_387 = vector.shape_cast %swap3A_386 : vector<1x16xf32> to vector<16xf32>
        %swap3A_388 = vector.shape_cast %add3A_383 : vector<16xf32> to vector<1x16xf32>
        tpu.vector_store %arg8[%swap3A_384, %swap3A_385], %swap3A_388 {strides = array<i32>} : memref<200x64xf32, #tpu.memory_space<vmem>>, vector<1x16xf32>,
        %get3A_389 = arith.index_cast %scan3A_360 : i32 to index
        %get3A_390 = arith.constant 32 : index
        %get3A_391 = tpu.vector_load %arg8[%get3A_389, %get3A_390] {strides = array<i32>} : memref<200x64xf32, #tpu.memory_space<vmem>>, vector<1x16xf32>,
        %get3A_392 = vector.shape_cast %get3A_391 : vector<1x16xf32> to vector<16xf32>
        %get3A_393 = arith.index_cast %scan3A_360 : i32 to index
        %get3A_394 = arith.constant 32 : index
        %get3A_395 = tpu.vector_load %arg7[%get3A_393, %get3A_394] {strides = array<i32>} : memref<200x64xf32, #tpu.memory_space<vmem>>, vector<1x16xf32>,
        %get3A_396 = vector.shape_cast %get3A_395 : vector<1x16xf32> to vector<16xf32>
        %add3A_397 = arith.addf %get3A_392, %get3A_396 : vector<16xf32>
        %swap3A_398 = arith.index_cast %scan3A_360 : i32 to index
        %swap3A_399 = arith.constant 32 : index
        %swap3A_400 = tpu.vector_load %arg8[%swap3A_398, %swap3A_399] {strides = array<i32>} : memref<200x64xf32, #tpu.memory_space<vmem>>, vector<1x16xf32>,
        %swap3A_401 = vector.shape_cast %swap3A_400 : vector<1x16xf32> to vector<16xf32>
        %swap3A_402 = vector.shape_cast %add3A_397 : vector<16xf32> to vector<1x16xf32>
        tpu.vector_store %arg8[%swap3A_398, %swap3A_399], %swap3A_402 {strides = array<i32>} : memref<200x64xf32, #tpu.memory_space<vmem>>, vector<1x16xf32>,
        %get3A_403 = arith.index_cast %scan3A_360 : i32 to index
        %get3A_404 = arith.constant 48 : index
        %get3A_405 = tpu.vector_load %arg8[%get3A_403, %get3A_404] {strides = array<i32>} : memref<200x64xf32, #tpu.memory_space<vmem>>, vector<1x16xf32>,
        %get3A_406 = vector.shape_cast %get3A_405 : vector<1x16xf32> to vector<16xf32>
        %get3A_407 = arith.index_cast %scan3A_360 : i32 to index
        %get3A_408 = arith.constant 48 : index
        %get3A_409 = tpu.vector_load %arg7[%get3A_407, %get3A_408] {strides = array<i32>} : memref<200x64xf32, #tpu.memory_space<vmem>>, vector<1x16xf32>,
        %get3A_410 = vector.shape_cast %get3A_409 : vector<1x16xf32> to vector<16xf32>
        %add3A_411 = arith.addf %get3A_406, %get3A_410 : vector<16xf32>
        %swap3A_412 = arith.index_cast %scan3A_360 : i32 to index
        %swap3A_413 = arith.constant 48 : index
        %swap3A_414 = tpu.vector_load %arg8[%swap3A_412, %swap3A_413] {strides = array<i32>} : memref<200x64xf32, #tpu.memory_space<vmem>>, vector<1x16xf32>,
        %swap3A_415 = vector.shape_cast %swap3A_414 : vector<1x16xf32> to vector<16xf32>
        %swap3A_416 = vector.shape_cast %add3A_411 : vector<16xf32> to vector<1x16xf32>
        tpu.vector_store %arg8[%swap3A_412, %swap3A_413], %swap3A_416 {strides = array<i32>} : memref<200x64xf32, #tpu.memory_space<vmem>>, vector<1x16xf32>,
        %scan3A_417 = arith.constant 3 : i32
        %scan3A_418 = arith.addi %scan3A_246, %scan3A_417 : i32
        %get3A_419 = arith.index_cast %scan3A_418 : i32 to index
        %get3A_420 = arith.constant 0 : index
        %get3A_421 = tpu.vector_load %arg8[%get3A_419, %get3A_420] {strides = array<i32>} : memref<200x64xf32, #tpu.memory_space<vmem>>, vector<1x16xf32>,
        %get3A_422 = vector.shape_cast %get3A_421 : vector<1x16xf32> to vector<16xf32>
        %get3A_423 = arith.index_cast %scan3A_418 : i32 to index
        %get3A_424 = arith.constant 0 : index
        %get3A_425 = tpu.vector_load %arg7[%get3A_423, %get3A_424] {strides = array<i32>} : memref<200x64xf32, #tpu.memory_space<vmem>>, vector<1x16xf32>,
        %get3A_426 = vector.shape_cast %get3A_425 : vector<1x16xf32> to vector<16xf32>
        %add3A_427 = arith.addf %get3A_422, %get3A_426 : vector<16xf32>
        %swap3A_428 = arith.index_cast %scan3A_418 : i32 to index
        %swap3A_429 = arith.constant 0 : index
        %swap3A_430 = tpu.vector_load %arg8[%swap3A_428, %swap3A_429] {strides = array<i32>} : memref<200x64xf32, #tpu.memory_space<vmem>>, vector<1x16xf32>,
        %swap3A_431 = vector.shape_cast %swap3A_430 : vector<1x16xf32> to vector<16xf32>
        %swap3A_432 = vector.shape_cast %add3A_427 : vector<16xf32> to vector<1x16xf32>
        tpu.vector_store %arg8[%swap3A_428, %swap3A_429], %swap3A_432 {strides = array<i32>} : memref<200x64xf32, #tpu.memory_space<vmem>>, vector<1x16xf32>,
        %get3A_433 = arith.index_cast %scan3A_418 : i32 to index
        %get3A_434 = arith.constant 16 : index
        %get3A_435 = tpu.vector_load %arg8[%get3A_433, %get3A_434] {strides = array<i32>} : memref<200x64xf32, #tpu.memory_space<vmem>>, vector<1x16xf32>,
        %get3A_436 = vector.shape_cast %get3A_435 : vector<1x16xf32> to vector<16xf32>
        %get3A_437 = arith.index_cast %scan3A_418 : i32 to index
        %get3A_438 = arith.constant 16 : index
        %get3A_439 = tpu.vector_load %arg7[%get3A_437, %get3A_438] {strides = array<i32>} : memref<200x64xf32, #tpu.memory_space<vmem>>, vector<1x16xf32>,
        %get3A_440 = vector.shape_cast %get3A_439 : vector<1x16xf32> to vector<16xf32>
        %add3A_441 = arith.addf %get3A_436, %get3A_440 : vector<16xf32>
        %swap3A_442 = arith.index_cast %scan3A_418 : i32 to index
        %swap3A_443 = arith.constant 16 : index
        %swap3A_444 = tpu.vector_load %arg8[%swap3A_442, %swap3A_443] {strides = array<i32>} : memref<200x64xf32, #tpu.memory_space<vmem>>, vector<1x16xf32>,
        %swap3A_445 = vector.shape_cast %swap3A_444 : vector<1x16xf32> to vector<16xf32>
        %swap3A_446 = vector.shape_cast %add3A_441 : vector<16xf32> to vector<1x16xf32>
        tpu.vector_store %arg8[%swap3A_442, %swap3A_443], %swap3A_446 {strides = array<i32>} : memref<200x64xf32, #tpu.memory_space<vmem>>, vector<1x16xf32>,
        %get3A_447 = arith.index_cast %scan3A_418 : i32 to index
        %get3A_448 = arith.constant 32 : index
        %get3A_449 = tpu.vector_load %arg8[%get3A_447, %get3A_448] {strides = array<i32>} : memref<200x64xf32, #tpu.memory_space<vmem>>, vector<1x16xf32>,
        %get3A_450 = vector.shape_cast %get3A_449 : vector<1x16xf32> to vector<16xf32>
        %get3A_451 = arith.index_cast %scan3A_418 : i32 to index
        %get3A_452 = arith.constant 32 : index
        %get3A_453 = tpu.vector_load %arg7[%get3A_451, %get3A_452] {strides = array<i32>} : memref<200x64xf32, #tpu.memory_space<vmem>>, vector<1x16xf32>,
        %get3A_454 = vector.shape_cast %get3A_453 : vector<1x16xf32> to vector<16xf32>
        %add3A_455 = arith.addf %get3A_450, %get3A_454 : vector<16xf32>
        %swap3A_456 = arith.index_cast %scan3A_418 : i32 to index
        %swap3A_457 = arith.constant 32 : index
        %swap3A_458 = tpu.vector_load %arg8[%swap3A_456, %swap3A_457] {strides = array<i32>} : memref<200x64xf32, #tpu.memory_space<vmem>>, vector<1x16xf32>,
        %swap3A_459 = vector.shape_cast %swap3A_458 : vector<1x16xf32> to vector<16xf32>
        %swap3A_460 = vector.shape_cast %add3A_455 : vector<16xf32> to vector<1x16xf32>
        tpu.vector_store %arg8[%swap3A_456, %swap3A_457], %swap3A_460 {strides = array<i32>} : memref<200x64xf32, #tpu.memory_space<vmem>>, vector<1x16xf32>,
        %get3A_461 = arith.index_cast %scan3A_418 : i32 to index
        %get3A_462 = arith.constant 48 : index
        %get3A_463 = tpu.vector_load %arg8[%get3A_461, %get3A_462] {strides = array<i32>} : memref<200x64xf32, #tpu.memory_space<vmem>>, vector<1x16xf32>,
        %get3A_464 = vector.shape_cast %get3A_463 : vector<1x16xf32> to vector<16xf32>
        %get3A_465 = arith.index_cast %scan3A_418 : i32 to index
        %get3A_466 = arith.constant 48 : index
        %get3A_467 = tpu.vector_load %arg7[%get3A_465, %get3A_466] {strides = array<i32>} : memref<200x64xf32, #tpu.memory_space<vmem>>, vector<1x16xf32>,
        %get3A_468 = vector.shape_cast %get3A_467 : vector<1x16xf32> to vector<16xf32>
        %add3A_469 = arith.addf %get3A_464, %get3A_468 : vector<16xf32>
        %swap3A_470 = arith.index_cast %scan3A_418 : i32 to index
        %swap3A_471 = arith.constant 48 : index
        %swap3A_472 = tpu.vector_load %arg8[%swap3A_470, %swap3A_471] {strides = array<i32>} : memref<200x64xf32, #tpu.memory_space<vmem>>, vector<1x16xf32>,
        %swap3A_473 = vector.shape_cast %swap3A_472 : vector<1x16xf32> to vector<16xf32>
        %swap3A_474 = vector.shape_cast %add3A_469 : vector<16xf32> to vector<1x16xf32>
        tpu.vector_store %arg8[%swap3A_470, %swap3A_471], %swap3A_474 {strides = array<i32>} : memref<200x64xf32, #tpu.memory_space<vmem>>, vector<1x16xf32>,
      }
      %scan3A_109 = arith.constant 200 : i32
      %add3A_110 = arith.addi %mul3A_4, %add3A_98 : i32
      %dma_start3A_111 = arith.constant 0 : i32
      %dma_start3A_112 = arith.constant 0 : i32
      %dma_start3A_113 = tpu.memref_slice %arg5[%add3A_110, %dma_start3A_111, %dma_start3A_112] : memref<1024x200x64xf32, #tpu.memory_space<hbm>> -> memref<1x200x64xf32, #tpu.memory_space<hbm>>
      %dma_start3A_114 = tpu.memref_squeeze %dma_start3A_113 : memref<1x200x64xf32, #tpu.memory_space<hbm>> -> memref<200x64xf32, #tpu.memory_space<hbm>>
      %dma_start3A_115 = arith.constant 0 : i32
      %dma_start3A_116 = arith.constant 0 : i32
      %dma_start3A_117 = tpu.memref_slice %arg5[%add3A_110, %dma_start3A_115, %dma_start3A_116] : memref<1024x200x64xf32, #tpu.memory_space<hbm>> -> memref<1x200x64xf32, #tpu.memory_space<hbm>>
      %dma_start3A_118 = tpu.memref_squeeze %dma_start3A_117 : memref<1x200x64xf32, #tpu.memory_space<hbm>> -> memref<200x64xf32, #tpu.memory_space<hbm>>
      tpu.enqueue_dma source(%arg8 : memref<200x64xf32, #tpu.memory_space<vmem>>) target(%dma_start3A_118 : memref<200x64xf32, #tpu.memory_space<hbm>>) target_semaphore(%arg16 : memref<!tpu.dma_semaphore, #tpu.memory_space<semaphore_mem>>)
      %add3A_119 = arith.constant 3 : i32
      %add3A_120 = arith.addi %add3A_98, %add3A_119 : i32
      %ge3A = arith.constant 1 : i32
      %ge3A_121 = arith.cmpi sge, %add3A_98, %ge3A : i32
      %lt3A = arith.constant 32 : i32
      %lt3A_122 = arith.cmpi slt, %add3A_120, %lt3A : i32
      %and3A = arith.andi %ge3A_121, %lt3A_122 : i1
      %convert_element_type3A = arith.extui %and3A : i1 to i32
      %cond3A = arith.constant 0 : i32
      %cond3A_123 = arith.cmpi ne, %convert_element_type3A, %cond3A : i32
      scf.if %cond3A_123 {
        %dma_wait3A_246 = arith.constant 0 : i32
        %dma_wait3A_247 = arith.constant 0 : i32
        %dma_wait3A_248 = tpu.memref_slice %arg5[%mul3A_4, %dma_wait3A_246, %dma_wait3A_247] : memref<1024x200x64xf32, #tpu.memory_space<hbm>> -> memref<1x200x64xf32, #tpu.memory_space<hbm>>
        %dma_wait3A_249 = tpu.memref_squeeze %dma_wait3A_248 : memref<1x200x64xf32, #tpu.memory_space<hbm>> -> memref<200x64xf32, #tpu.memory_space<hbm>>
        %dma_wait3A_250 = arith.constant 0 : i32
        %dma_wait3A_251 = arith.constant 0 : i32
        %dma_wait3A_252 = tpu.memref_slice %arg5[%mul3A_4, %dma_wait3A_250, %dma_wait3A_251] : memref<1024x200x64xf32, #tpu.memory_space<hbm>> -> memref<1x200x64xf32, #tpu.memory_space<hbm>>
        %dma_wait3A_253 = tpu.memref_squeeze %dma_wait3A_252 : memref<1x200x64xf32, #tpu.memory_space<hbm>> -> memref<200x64xf32, #tpu.memory_space<hbm>>
        tpu.wait_dma2 semaphore(%arg19 : memref<!tpu.dma_semaphore, #tpu.memory_space<semaphore_mem>>) src(%arg11 : memref<200x64xf32, #tpu.memory_space<vmem>>) dst(%dma_wait3A_253 : memref<200x64xf32, #tpu.memory_space<hbm>>)
      } else {
      }
      %lt3A_124 = arith.constant 32 : i32
      %lt3A_125 = arith.cmpi slt, %add3A_120, %lt3A_124 : i32
      %convert_element_type3A_126 = arith.extui %lt3A_125 : i1 to i32
      %cond3A_127 = arith.constant 0 : i32
      %cond3A_128 = arith.cmpi ne, %convert_element_type3A_126, %cond3A_127 : i32
      scf.if %cond3A_128 {
        %mul3A_246 = arith.constant 200 : i32
        %mul3A_247 = arith.muli %add3A_120, %mul3A_246 : i32
        %multiple_of3A_248 = tpu.assume_multiple %mul3A_247, 8 : i32
        %mul3A_249 = arith.constant 200 : i32
        %mul3A_250 = arith.muli %add3A_120, %mul3A_249 : i32
        %add3A_251 = arith.constant 104 : i32
        %add3A_252 = arith.addi %mul3A_250, %add3A_251 : i32
        %multiple_of3A_253 = tpu.assume_multiple %add3A_252, 8 : i32
        %dma_start3A_254 = arith.constant 0 : i32
        %dma_start3A_255 = arith.constant 0 : i32
        %dma_start3A_256 = tpu.memref_slice %arg11[%dma_start3A_254, %dma_start3A_255] : memref<200x64xf32, #tpu.memory_space<vmem>> -> memref<104x64xf32, #tpu.memory_space<vmem>>
        %dma_start3A_257 = tpu.memref_slice %arg6[%multiple_of3A_248] : memref<6400xi32, #tpu.memory_space<vmem>> -> memref<104xi32, #tpu.memory_space<vmem>>
        %dma_start3A_258 = arith.constant 0 : i32
        %dma_start3A_259 = arith.constant 0 : i32
        %dma_start3A_260 = tpu.memref_slice %arg3[%dma_start3A_258, %dma_start3A_259] : memref<1000000x64xf32, #tpu.memory_space<hbm>> -> memref<1000000x64xf32, #tpu.memory_space<hbm>>
        tpu.enqueue_indirect_dma source(%dma_start3A_260 : memref<1000000x64xf32, #tpu.memory_space<hbm>>) target(%dma_start3A_256 : memref<104x64xf32, #tpu.memory_space<vmem>>) offsets(%dma_start3A_257 : memref<104xi32, #tpu.memory_space<vmem>>) semaphore(%arg15 : memref<!tpu.dma_semaphore, #tpu.memory_space<semaphore_mem>>)
        %dma_start3A_261 = arith.constant 104 : i32
        %dma_start3A_262 = arith.constant 0 : i32
        %dma_start3A_263 = tpu.memref_slice %arg11[%dma_start3A_261, %dma_start3A_262] : memref<200x64xf32, #tpu.memory_space<vmem>> -> memref<96x64xf32, #tpu.memory_space<vmem>>
        %dma_start3A_264 = tpu.memref_slice %arg6[%multiple_of3A_253] : memref<6400xi32, #tpu.memory_space<vmem>> -> memref<96xi32, #tpu.memory_space<vmem>>
        %dma_start3A_265 = arith.constant 0 : i32
        %dma_start3A_266 = arith.constant 0 : i32
        %dma_start3A_267 = tpu.memref_slice %arg3[%dma_start3A_265, %dma_start3A_266] : memref<1000000x64xf32, #tpu.memory_space<hbm>> -> memref<1000000x64xf32, #tpu.memory_space<hbm>>
        tpu.enqueue_indirect_dma source(%dma_start3A_267 : memref<1000000x64xf32, #tpu.memory_space<hbm>>) target(%dma_start3A_263 : memref<96x64xf32, #tpu.memory_space<vmem>>) offsets(%dma_start3A_264 : memref<96xi32, #tpu.memory_space<vmem>>) semaphore(%arg15 : memref<!tpu.dma_semaphore, #tpu.memory_space<semaphore_mem>>)
      } else {
      }
      %mul3A_129 = arith.constant 4 : i32
      %mul3A_130 = arith.muli %mul3A_129, %scan3A_94 : i32
      %add3A_131 = arith.constant 1 : i32
      %add3A_132 = arith.addi %mul3A_130, %add3A_131 : i32
      %dma_wait3A_133 = arith.constant 0 : i32
      %dma_wait3A_134 = tpu.memref_slice %arg6[%dma_wait3A_133] : memref<6400xi32, #tpu.memory_space<vmem>> -> memref<200xi32, #tpu.memory_space<vmem>>
      %dma_wait3A_135 = arith.constant 0 : i32
      %dma_wait3A_136 = arith.constant 0 : i32
      %dma_wait3A_137 = tpu.memref_slice %arg3[%dma_wait3A_135, %dma_wait3A_136] : memref<1000000x64xf32, #tpu.memory_space<hbm>> -> memref<1000000x64xf32, #tpu.memory_space<hbm>>
      tpu.wait_indirect_dma semaphore(%arg13 : memref<!tpu.dma_semaphore, #tpu.memory_space<semaphore_mem>>) src(%dma_wait3A_137 : memref<1000000x64xf32, #tpu.memory_space<hbm>>) dst(%arg9 : memref<200x64xf32, #tpu.memory_space<vmem>>)
      %scan3A_138 = arith.constant 0 : i32
      %scan3A_139 = arith.constant 0 : i32
      %scan3A_140 = arith.constant 200 : i32
      %scan3A_141 = arith.addi %scan3A_139, %scan3A_140 : i32
      %scan3A_142 = arith.constant 4 : i32
      scf.for %scan3A_246 = %scan3A_139 to %scan3A_141 step %scan3A_142  : i32 {
        %get3A = arith.index_cast %scan3A_246 : i32 to index
        %get3A_247 = arith.constant 0 : index
        %get3A_248 = tpu.vector_load %arg9[%get3A, %get3A_247] {strides = array<i32>} : memref<200x64xf32, #tpu.memory_space<vmem>>, vector<1x16xf32>,
        %get3A_249 = vector.shape_cast %get3A_248 : vector<1x16xf32> to vector<16xf32>
        %get3A_250 = arith.index_cast %scan3A_246 : i32 to index
        %get3A_251 = arith.constant 0 : index
        %get3A_252 = tpu.vector_load %arg7[%get3A_250, %get3A_251] {strides = array<i32>} : memref<200x64xf32, #tpu.memory_space<vmem>>, vector<1x16xf32>,
        %get3A_253 = vector.shape_cast %get3A_252 : vector<1x16xf32> to vector<16xf32>
        %add3A_254 = arith.addf %get3A_249, %get3A_253 : vector<16xf32>
        %swap3A = arith.index_cast %scan3A_246 : i32 to index
        %swap3A_255 = arith.constant 0 : index
        %swap3A_256 = tpu.vector_load %arg9[%swap3A, %swap3A_255] {strides = array<i32>} : memref<200x64xf32, #tpu.memory_space<vmem>>, vector<1x16xf32>,
        %swap3A_257 = vector.shape_cast %swap3A_256 : vector<1x16xf32> to vector<16xf32>
        %swap3A_258 = vector.shape_cast %add3A_254 : vector<16xf32> to vector<1x16xf32>
        tpu.vector_store %arg9[%swap3A, %swap3A_255], %swap3A_258 {strides = array<i32>} : memref<200x64xf32, #tpu.memory_space<vmem>>, vector<1x16xf32>,
        %get3A_259 = arith.index_cast %scan3A_246 : i32 to index
        %get3A_260 = arith.constant 16 : index
        %get3A_261 = tpu.vector_load %arg9[%get3A_259, %get3A_260] {strides = array<i32>} : memref<200x64xf32, #tpu.memory_space<vmem>>, vector<1x16xf32>,
        %get3A_262 = vector.shape_cast %get3A_261 : vector<1x16xf32> to vector<16xf32>
        %get3A_263 = arith.index_cast %scan3A_246 : i32 to index
        %get3A_264 = arith.constant 16 : index
        %get3A_265 = tpu.vector_load %arg7[%get3A_263, %get3A_264] {strides = array<i32>} : memref<200x64xf32, #tpu.memory_space<vmem>>, vector<1x16xf32>,
        %get3A_266 = vector.shape_cast %get3A_265 : vector<1x16xf32> to vector<16xf32>
        %add3A_267 = arith.addf %get3A_262, %get3A_266 : vector<16xf32>
        %swap3A_268 = arith.index_cast %scan3A_246 : i32 to index
        %swap3A_269 = arith.constant 16 : index
        %swap3A_270 = tpu.vector_load %arg9[%swap3A_268, %swap3A_269] {strides = array<i32>} : memref<200x64xf32, #tpu.memory_space<vmem>>, vector<1x16xf32>,
        %swap3A_271 = vector.shape_cast %swap3A_270 : vector<1x16xf32> to vector<16xf32>
        %swap3A_272 = vector.shape_cast %add3A_267 : vector<16xf32> to vector<1x16xf32>
        tpu.vector_store %arg9[%swap3A_268, %swap3A_269], %swap3A_272 {strides = array<i32>} : memref<200x64xf32, #tpu.memory_space<vmem>>, vector<1x16xf32>,
        %get3A_273 = arith.index_cast %scan3A_246 : i32 to index
        %get3A_274 = arith.constant 32 : index
        %get3A_275 = tpu.vector_load %arg9[%get3A_273, %get3A_274] {strides = array<i32>} : memref<200x64xf32, #tpu.memory_space<vmem>>, vector<1x16xf32>,
        %get3A_276 = vector.shape_cast %get3A_275 : vector<1x16xf32> to vector<16xf32>
        %get3A_277 = arith.index_cast %scan3A_246 : i32 to index
        %get3A_278 = arith.constant 32 : index
        %get3A_279 = tpu.vector_load %arg7[%get3A_277, %get3A_278] {strides = array<i32>} : memref<200x64xf32, #tpu.memory_space<vmem>>, vector<1x16xf32>,
        %get3A_280 = vector.shape_cast %get3A_279 : vector<1x16xf32> to vector<16xf32>
        %add3A_281 = arith.addf %get3A_276, %get3A_280 : vector<16xf32>
        %swap3A_282 = arith.index_cast %scan3A_246 : i32 to index
        %swap3A_283 = arith.constant 32 : index
        %swap3A_284 = tpu.vector_load %arg9[%swap3A_282, %swap3A_283] {strides = array<i32>} : memref<200x64xf32, #tpu.memory_space<vmem>>, vector<1x16xf32>,
        %swap3A_285 = vector.shape_cast %swap3A_284 : vector<1x16xf32> to vector<16xf32>
        %swap3A_286 = vector.shape_cast %add3A_281 : vector<16xf32> to vector<1x16xf32>
        tpu.vector_store %arg9[%swap3A_282, %swap3A_283], %swap3A_286 {strides = array<i32>} : memref<200x64xf32, #tpu.memory_space<vmem>>, vector<1x16xf32>,
        %get3A_287 = arith.index_cast %scan3A_246 : i32 to index
        %get3A_288 = arith.constant 48 : index
        %get3A_289 = tpu.vector_load %arg9[%get3A_287, %get3A_288] {strides = array<i32>} : memref<200x64xf32, #tpu.memory_space<vmem>>, vector<1x16xf32>,
        %get3A_290 = vector.shape_cast %get3A_289 : vector<1x16xf32> to vector<16xf32>
        %get3A_291 = arith.index_cast %scan3A_246 : i32 to index
        %get3A_292 = arith.constant 48 : index
        %get3A_293 = tpu.vector_load %arg7[%get3A_291, %get3A_292] {strides = array<i32>} : memref<200x64xf32, #tpu.memory_space<vmem>>, vector<1x16xf32>,
        %get3A_294 = vector.shape_cast %get3A_293 : vector<1x16xf32> to vector<16xf32>
        %add3A_295 = arith.addf %get3A_290, %get3A_294 : vector<16xf32>
        %swap3A_296 = arith.index_cast %scan3A_246 : i32 to index
        %swap3A_297 = arith.constant 48 : index
        %swap3A_298 = tpu.vector_load %arg9[%swap3A_296, %swap3A_297] {strides = array<i32>} : memref<200x64xf32, #tpu.memory_space<vmem>>, vector<1x16xf32>,
        %swap3A_299 = vector.shape_cast %swap3A_298 : vector<1x16xf32> to vector<16xf32>
        %swap3A_300 = vector.shape_cast %add3A_295 : vector<16xf32> to vector<1x16xf32>
        tpu.vector_store %arg9[%swap3A_296, %swap3A_297], %swap3A_300 {strides = array<i32>} : memref<200x64xf32, #tpu.memory_space<vmem>>, vector<1x16xf32>,
        %scan3A_301 = arith.constant 1 : i32
        %scan3A_302 = arith.addi %scan3A_246, %scan3A_301 : i32
        %get3A_303 = arith.index_cast %scan3A_302 : i32 to index
        %get3A_304 = arith.constant 0 : index
        %get3A_305 = tpu.vector_load %arg9[%get3A_303, %get3A_304] {strides = array<i32>} : memref<200x64xf32, #tpu.memory_space<vmem>>, vector<1x16xf32>,
        %get3A_306 = vector.shape_cast %get3A_305 : vector<1x16xf32> to vector<16xf32>
        %get3A_307 = arith.index_cast %scan3A_302 : i32 to index
        %get3A_308 = arith.constant 0 : index
        %get3A_309 = tpu.vector_load %arg7[%get3A_307, %get3A_308] {strides = array<i32>} : memref<200x64xf32, #tpu.memory_space<vmem>>, vector<1x16xf32>,
        %get3A_310 = vector.shape_cast %get3A_309 : vector<1x16xf32> to vector<16xf32>
        %add3A_311 = arith.addf %get3A_306, %get3A_310 : vector<16xf32>
        %swap3A_312 = arith.index_cast %scan3A_302 : i32 to index
        %swap3A_313 = arith.constant 0 : index
        %swap3A_314 = tpu.vector_load %arg9[%swap3A_312, %swap3A_313] {strides = array<i32>} : memref<200x64xf32, #tpu.memory_space<vmem>>, vector<1x16xf32>,
        %swap3A_315 = vector.shape_cast %swap3A_314 : vector<1x16xf32> to vector<16xf32>
        %swap3A_316 = vector.shape_cast %add3A_311 : vector<16xf32> to vector<1x16xf32>
        tpu.vector_store %arg9[%swap3A_312, %swap3A_313], %swap3A_316 {strides = array<i32>} : memref<200x64xf32, #tpu.memory_space<vmem>>, vector<1x16xf32>,
        %get3A_317 = arith.index_cast %scan3A_302 : i32 to index
        %get3A_318 = arith.constant 16 : index
        %get3A_319 = tpu.vector_load %arg9[%get3A_317, %get3A_318] {strides = array<i32>} : memref<200x64xf32, #tpu.memory_space<vmem>>, vector<1x16xf32>,
        %get3A_320 = vector.shape_cast %get3A_319 : vector<1x16xf32> to vector<16xf32>
        %get3A_321 = arith.index_cast %scan3A_302 : i32 to index
        %get3A_322 = arith.constant 16 : index
        %get3A_323 = tpu.vector_load %arg7[%get3A_321, %get3A_322] {strides = array<i32>} : memref<200x64xf32, #tpu.memory_space<vmem>>, vector<1x16xf32>,
        %get3A_324 = vector.shape_cast %get3A_323 : vector<1x16xf32> to vector<16xf32>
        %add3A_325 = arith.addf %get3A_320, %get3A_324 : vector<16xf32>
        %swap3A_326 = arith.index_cast %scan3A_302 : i32 to index
        %swap3A_327 = arith.constant 16 : index
        %swap3A_328 = tpu.vector_load %arg9[%swap3A_326, %swap3A_327] {strides = array<i32>} : memref<200x64xf32, #tpu.memory_space<vmem>>, vector<1x16xf32>,
        %swap3A_329 = vector.shape_cast %swap3A_328 : vector<1x16xf32> to vector<16xf32>
        %swap3A_330 = vector.shape_cast %add3A_325 : vector<16xf32> to vector<1x16xf32>
        tpu.vector_store %arg9[%swap3A_326, %swap3A_327], %swap3A_330 {strides = array<i32>} : memref<200x64xf32, #tpu.memory_space<vmem>>, vector<1x16xf32>,
        %get3A_331 = arith.index_cast %scan3A_302 : i32 to index
        %get3A_332 = arith.constant 32 : index
        %get3A_333 = tpu.vector_load %arg9[%get3A_331, %get3A_332] {strides = array<i32>} : memref<200x64xf32, #tpu.memory_space<vmem>>, vector<1x16xf32>,
        %get3A_334 = vector.shape_cast %get3A_333 : vector<1x16xf32> to vector<16xf32>
        %get3A_335 = arith.index_cast %scan3A_302 : i32 to index
        %get3A_336 = arith.constant 32 : index
        %get3A_337 = tpu.vector_load %arg7[%get3A_335, %get3A_336] {strides = array<i32>} : memref<200x64xf32, #tpu.memory_space<vmem>>, vector<1x16xf32>,
        %get3A_338 = vector.shape_cast %get3A_337 : vector<1x16xf32> to vector<16xf32>
        %add3A_339 = arith.addf %get3A_334, %get3A_338 : vector<16xf32>
        %swap3A_340 = arith.index_cast %scan3A_302 : i32 to index
        %swap3A_341 = arith.constant 32 : index
        %swap3A_342 = tpu.vector_load %arg9[%swap3A_340, %swap3A_341] {strides = array<i32>} : memref<200x64xf32, #tpu.memory_space<vmem>>, vector<1x16xf32>,
        %swap3A_343 = vector.shape_cast %swap3A_342 : vector<1x16xf32> to vector<16xf32>
        %swap3A_344 = vector.shape_cast %add3A_339 : vector<16xf32> to vector<1x16xf32>
        tpu.vector_store %arg9[%swap3A_340, %swap3A_341], %swap3A_344 {strides = array<i32>} : memref<200x64xf32, #tpu.memory_space<vmem>>, vector<1x16xf32>,
        %get3A_345 = arith.index_cast %scan3A_302 : i32 to index
        %get3A_346 = arith.constant 48 : index
        %get3A_347 = tpu.vector_load %arg9[%get3A_345, %get3A_346] {strides = array<i32>} : memref<200x64xf32, #tpu.memory_space<vmem>>, vector<1x16xf32>,
        %get3A_348 = vector.shape_cast %get3A_347 : vector<1x16xf32> to vector<16xf32>
        %get3A_349 = arith.index_cast %scan3A_302 : i32 to index
        %get3A_350 = arith.constant 48 : index
        %get3A_351 = tpu.vector_load %arg7[%get3A_349, %get3A_350] {strides = array<i32>} : memref<200x64xf32, #tpu.memory_space<vmem>>, vector<1x16xf32>,
        %get3A_352 = vector.shape_cast %get3A_351 : vector<1x16xf32> to vector<16xf32>
        %add3A_353 = arith.addf %get3A_348, %get3A_352 : vector<16xf32>
        %swap3A_354 = arith.index_cast %scan3A_302 : i32 to index
        %swap3A_355 = arith.constant 48 : index
        %swap3A_356 = tpu.vector_load %arg9[%swap3A_354, %swap3A_355] {strides = array<i32>} : memref<200x64xf32, #tpu.memory_space<vmem>>, vector<1x16xf32>,
        %swap3A_357 = vector.shape_cast %swap3A_356 : vector<1x16xf32> to vector<16xf32>
        %swap3A_358 = vector.shape_cast %add3A_353 : vector<16xf32> to vector<1x16xf32>
        tpu.vector_store %arg9[%swap3A_354, %swap3A_355], %swap3A_358 {strides = array<i32>} : memref<200x64xf32, #tpu.memory_space<vmem>>, vector<1x16xf32>,
        %scan3A_359 = arith.constant 2 : i32
        %scan3A_360 = arith.addi %scan3A_246, %scan3A_359 : i32
        %get3A_361 = arith.index_cast %scan3A_360 : i32 to index
        %get3A_362 = arith.constant 0 : index
        %get3A_363 = tpu.vector_load %arg9[%get3A_361, %get3A_362] {strides = array<i32>} : memref<200x64xf32, #tpu.memory_space<vmem>>, vector<1x16xf32>,
        %get3A_364 = vector.shape_cast %get3A_363 : vector<1x16xf32> to vector<16xf32>
        %get3A_365 = arith.index_cast %scan3A_360 : i32 to index
        %get3A_366 = arith.constant 0 : index
        %get3A_367 = tpu.vector_load %arg7[%get3A_365, %get3A_366] {strides = array<i32>} : memref<200x64xf32, #tpu.memory_space<vmem>>, vector<1x16xf32>,
        %get3A_368 = vector.shape_cast %get3A_367 : vector<1x16xf32> to vector<16xf32>
        %add3A_369 = arith.addf %get3A_364, %get3A_368 : vector<16xf32>
        %swap3A_370 = arith.index_cast %scan3A_360 : i32 to index
        %swap3A_371 = arith.constant 0 : index
        %swap3A_372 = tpu.vector_load %arg9[%swap3A_370, %swap3A_371] {strides = array<i32>} : memref<200x64xf32, #tpu.memory_space<vmem>>, vector<1x16xf32>,
        %swap3A_373 = vector.shape_cast %swap3A_372 : vector<1x16xf32> to vector<16xf32>
        %swap3A_374 = vector.shape_cast %add3A_369 : vector<16xf32> to vector<1x16xf32>
        tpu.vector_store %arg9[%swap3A_370, %swap3A_371], %swap3A_374 {strides = array<i32>} : memref<200x64xf32, #tpu.memory_space<vmem>>, vector<1x16xf32>,
        %get3A_375 = arith.index_cast %scan3A_360 : i32 to index
        %get3A_376 = arith.constant 16 : index
        %get3A_377 = tpu.vector_load %arg9[%get3A_375, %get3A_376] {strides = array<i32>} : memref<200x64xf32, #tpu.memory_space<vmem>>, vector<1x16xf32>,
        %get3A_378 = vector.shape_cast %get3A_377 : vector<1x16xf32> to vector<16xf32>
        %get3A_379 = arith.index_cast %scan3A_360 : i32 to index
        %get3A_380 = arith.constant 16 : index
        %get3A_381 = tpu.vector_load %arg7[%get3A_379, %get3A_380] {strides = array<i32>} : memref<200x64xf32, #tpu.memory_space<vmem>>, vector<1x16xf32>,
        %get3A_382 = vector.shape_cast %get3A_381 : vector<1x16xf32> to vector<16xf32>
        %add3A_383 = arith.addf %get3A_378, %get3A_382 : vector<16xf32>
        %swap3A_384 = arith.index_cast %scan3A_360 : i32 to index
        %swap3A_385 = arith.constant 16 : index
        %swap3A_386 = tpu.vector_load %arg9[%swap3A_384, %swap3A_385] {strides = array<i32>} : memref<200x64xf32, #tpu.memory_space<vmem>>, vector<1x16xf32>,
        %swap3A_387 = vector.shape_cast %swap3A_386 : vector<1x16xf32> to vector<16xf32>
        %swap3A_388 = vector.shape_cast %add3A_383 : vector<16xf32> to vector<1x16xf32>
        tpu.vector_store %arg9[%swap3A_384, %swap3A_385], %swap3A_388 {strides = array<i32>} : memref<200x64xf32, #tpu.memory_space<vmem>>, vector<1x16xf32>,
        %get3A_389 = arith.index_cast %scan3A_360 : i32 to index
        %get3A_390 = arith.constant 32 : index
        %get3A_391 = tpu.vector_load %arg9[%get3A_389, %get3A_390] {strides = array<i32>} : memref<200x64xf32, #tpu.memory_space<vmem>>, vector<1x16xf32>,
        %get3A_392 = vector.shape_cast %get3A_391 : vector<1x16xf32> to vector<16xf32>
        %get3A_393 = arith.index_cast %scan3A_360 : i32 to index
        %get3A_394 = arith.constant 32 : index
        %get3A_395 = tpu.vector_load %arg7[%get3A_393, %get3A_394] {strides = array<i32>} : memref<200x64xf32, #tpu.memory_space<vmem>>, vector<1x16xf32>,
        %get3A_396 = vector.shape_cast %get3A_395 : vector<1x16xf32> to vector<16xf32>
        %add3A_397 = arith.addf %get3A_392, %get3A_396 : vector<16xf32>
        %swap3A_398 = arith.index_cast %scan3A_360 : i32 to index
        %swap3A_399 = arith.constant 32 : index
        %swap3A_400 = tpu.vector_load %arg9[%swap3A_398, %swap3A_399] {strides = array<i32>} : memref<200x64xf32, #tpu.memory_space<vmem>>, vector<1x16xf32>,
        %swap3A_401 = vector.shape_cast %swap3A_400 : vector<1x16xf32> to vector<16xf32>
        %swap3A_402 = vector.shape_cast %add3A_397 : vector<16xf32> to vector<1x16xf32>
        tpu.vector_store %arg9[%swap3A_398, %swap3A_399], %swap3A_402 {strides = array<i32>} : memref<200x64xf32, #tpu.memory_space<vmem>>, vector<1x16xf32>,
        %get3A_403 = arith.index_cast %scan3A_360 : i32 to index
        %get3A_404 = arith.constant 48 : index
        %get3A_405 = tpu.vector_load %arg9[%get3A_403, %get3A_404] {strides = array<i32>} : memref<200x64xf32, #tpu.memory_space<vmem>>, vector<1x16xf32>,
        %get3A_406 = vector.shape_cast %get3A_405 : vector<1x16xf32> to vector<16xf32>
        %get3A_407 = arith.index_cast %scan3A_360 : i32 to index
        %get3A_408 = arith.constant 48 : index
        %get3A_409 = tpu.vector_load %arg7[%get3A_407, %get3A_408] {strides = array<i32>} : memref<200x64xf32, #tpu.memory_space<vmem>>, vector<1x16xf32>,
        %get3A_410 = vector.shape_cast %get3A_409 : vector<1x16xf32> to vector<16xf32>
        %add3A_411 = arith.addf %get3A_406, %get3A_410 : vector<16xf32>
        %swap3A_412 = arith.index_cast %scan3A_360 : i32 to index
        %swap3A_413 = arith.constant 48 : index
        %swap3A_414 = tpu.vector_load %arg9[%swap3A_412, %swap3A_413] {strides = array<i32>} : memref<200x64xf32, #tpu.memory_space<vmem>>, vector<1x16xf32>,
        %swap3A_415 = vector.shape_cast %swap3A_414 : vector<1x16xf32> to vector<16xf32>
        %swap3A_416 = vector.shape_cast %add3A_411 : vector<16xf32> to vector<1x16xf32>
        tpu.vector_store %arg9[%swap3A_412, %swap3A_413], %swap3A_416 {strides = array<i32>} : memref<200x64xf32, #tpu.memory_space<vmem>>, vector<1x16xf32>,
        %scan3A_417 = arith.constant 3 : i32
        %scan3A_418 = arith.addi %scan3A_246, %scan3A_417 : i32
        %get3A_419 = arith.index_cast %scan3A_418 : i32 to index
        %get3A_420 = arith.constant 0 : index
        %get3A_421 = tpu.vector_load %arg9[%get3A_419, %get3A_420] {strides = array<i32>} : memref<200x64xf32, #tpu.memory_space<vmem>>, vector<1x16xf32>,
        %get3A_422 = vector.shape_cast %get3A_421 : vector<1x16xf32> to vector<16xf32>
        %get3A_423 = arith.index_cast %scan3A_418 : i32 to index
        %get3A_424 = arith.constant 0 : index
        %get3A_425 = tpu.vector_load %arg7[%get3A_423, %get3A_424] {strides = array<i32>} : memref<200x64xf32, #tpu.memory_space<vmem>>, vector<1x16xf32>,
        %get3A_426 = vector.shape_cast %get3A_425 : vector<1x16xf32> to vector<16xf32>
        %add3A_427 = arith.addf %get3A_422, %get3A_426 : vector<16xf32>
        %swap3A_428 = arith.index_cast %scan3A_418 : i32 to index
        %swap3A_429 = arith.constant 0 : index
        %swap3A_430 = tpu.vector_load %arg9[%swap3A_428, %swap3A_429] {strides = array<i32>} : memref<200x64xf32, #tpu.memory_space<vmem>>, vector<1x16xf32>,
        %swap3A_431 = vector.shape_cast %swap3A_430 : vector<1x16xf32> to vector<16xf32>
        %swap3A_432 = vector.shape_cast %add3A_427 : vector<16xf32> to vector<1x16xf32>
        tpu.vector_store %arg9[%swap3A_428, %swap3A_429], %swap3A_432 {strides = array<i32>} : memref<200x64xf32, #tpu.memory_space<vmem>>, vector<1x16xf32>,
        %get3A_433 = arith.index_cast %scan3A_418 : i32 to index
        %get3A_434 = arith.constant 16 : index
        %get3A_435 = tpu.vector_load %arg9[%get3A_433, %get3A_434] {strides = array<i32>} : memref<200x64xf32, #tpu.memory_space<vmem>>, vector<1x16xf32>,
        %get3A_436 = vector.shape_cast %get3A_435 : vector<1x16xf32> to vector<16xf32>
        %get3A_437 = arith.index_cast %scan3A_418 : i32 to index
        %get3A_438 = arith.constant 16 : index
        %get3A_439 = tpu.vector_load %arg7[%get3A_437, %get3A_438] {strides = array<i32>} : memref<200x64xf32, #tpu.memory_space<vmem>>, vector<1x16xf32>,
        %get3A_440 = vector.shape_cast %get3A_439 : vector<1x16xf32> to vector<16xf32>
        %add3A_441 = arith.addf %get3A_436, %get3A_440 : vector<16xf32>
        %swap3A_442 = arith.index_cast %scan3A_418 : i32 to index
        %swap3A_443 = arith.constant 16 : index
        %swap3A_444 = tpu.vector_load %arg9[%swap3A_442, %swap3A_443] {strides = array<i32>} : memref<200x64xf32, #tpu.memory_space<vmem>>, vector<1x16xf32>,
        %swap3A_445 = vector.shape_cast %swap3A_444 : vector<1x16xf32> to vector<16xf32>
        %swap3A_446 = vector.shape_cast %add3A_441 : vector<16xf32> to vector<1x16xf32>
        tpu.vector_store %arg9[%swap3A_442, %swap3A_443], %swap3A_446 {strides = array<i32>} : memref<200x64xf32, #tpu.memory_space<vmem>>, vector<1x16xf32>,
        %get3A_447 = arith.index_cast %scan3A_418 : i32 to index
        %get3A_448 = arith.constant 32 : index
        %get3A_449 = tpu.vector_load %arg9[%get3A_447, %get3A_448] {strides = array<i32>} : memref<200x64xf32, #tpu.memory_space<vmem>>, vector<1x16xf32>,
        %get3A_450 = vector.shape_cast %get3A_449 : vector<1x16xf32> to vector<16xf32>
        %get3A_451 = arith.index_cast %scan3A_418 : i32 to index
        %get3A_452 = arith.constant 32 : index
        %get3A_453 = tpu.vector_load %arg7[%get3A_451, %get3A_452] {strides = array<i32>} : memref<200x64xf32, #tpu.memory_space<vmem>>, vector<1x16xf32>,
        %get3A_454 = vector.shape_cast %get3A_453 : vector<1x16xf32> to vector<16xf32>
        %add3A_455 = arith.addf %get3A_450, %get3A_454 : vector<16xf32>
        %swap3A_456 = arith.index_cast %scan3A_418 : i32 to index
        %swap3A_457 = arith.constant 32 : index
        %swap3A_458 = tpu.vector_load %arg9[%swap3A_456, %swap3A_457] {strides = array<i32>} : memref<200x64xf32, #tpu.memory_space<vmem>>, vector<1x16xf32>,
        %swap3A_459 = vector.shape_cast %swap3A_458 : vector<1x16xf32> to vector<16xf32>
        %swap3A_460 = vector.shape_cast %add3A_455 : vector<16xf32> to vector<1x16xf32>
        tpu.vector_store %arg9[%swap3A_456, %swap3A_457], %swap3A_460 {strides = array<i32>} : memref<200x64xf32, #tpu.memory_space<vmem>>, vector<1x16xf32>,
        %get3A_461 = arith.index_cast %scan3A_418 : i32 to index
        %get3A_462 = arith.constant 48 : index
        %get3A_463 = tpu.vector_load %arg9[%get3A_461, %get3A_462] {strides = array<i32>} : memref<200x64xf32, #tpu.memory_space<vmem>>, vector<1x16xf32>,
        %get3A_464 = vector.shape_cast %get3A_463 : vector<1x16xf32> to vector<16xf32>
        %get3A_465 = arith.index_cast %scan3A_418 : i32 to index
        %get3A_466 = arith.constant 48 : index
        %get3A_467 = tpu.vector_load %arg7[%get3A_465, %get3A_466] {strides = array<i32>} : memref<200x64xf32, #tpu.memory_space<vmem>>, vector<1x16xf32>,
        %get3A_468 = vector.shape_cast %get3A_467 : vector<1x16xf32> to vector<16xf32>
        %add3A_469 = arith.addf %get3A_464, %get3A_468 : vector<16xf32>
        %swap3A_470 = arith.index_cast %scan3A_418 : i32 to index
        %swap3A_471 = arith.constant 48 : index
        %swap3A_472 = tpu.vector_load %arg9[%swap3A_470, %swap3A_471] {strides = array<i32>} : memref<200x64xf32, #tpu.memory_space<vmem>>, vector<1x16xf32>,
        %swap3A_473 = vector.shape_cast %swap3A_472 : vector<1x16xf32> to vector<16xf32>
        %swap3A_474 = vector.shape_cast %add3A_469 : vector<16xf32> to vector<1x16xf32>
        tpu.vector_store %arg9[%swap3A_470, %swap3A_471], %swap3A_474 {strides = array<i32>} : memref<200x64xf32, #tpu.memory_space<vmem>>, vector<1x16xf32>,
      }
      %scan3A_143 = arith.constant 200 : i32
      %add3A_144 = arith.addi %mul3A_4, %add3A_132 : i32
      %dma_start3A_145 = arith.constant 0 : i32
      %dma_start3A_146 = arith.constant 0 : i32
      %dma_start3A_147 = tpu.memref_slice %arg5[%add3A_144, %dma_start3A_145, %dma_start3A_146] : memref<1024x200x64xf32, #tpu.memory_space<hbm>> -> memref<1x200x64xf32, #tpu.memory_space<hbm>>
      %dma_start3A_148 = tpu.memref_squeeze %dma_start3A_147 : memref<1x200x64xf32, #tpu.memory_space<hbm>> -> memref<200x64xf32, #tpu.memory_space<hbm>>
      %dma_start3A_149 = arith.constant 0 : i32
      %dma_start3A_150 = arith.constant 0 : i32
      %dma_start3A_151 = tpu.memref_slice %arg5[%add3A_144, %dma_start3A_149, %dma_start3A_150] : memref<1024x200x64xf32, #tpu.memory_space<hbm>> -> memref<1x200x64xf32, #tpu.memory_space<hbm>>
      %dma_start3A_152 = tpu.memref_squeeze %dma_start3A_151 : memref<1x200x64xf32, #tpu.memory_space<hbm>> -> memref<200x64xf32, #tpu.memory_space<hbm>>
      tpu.enqueue_dma source(%arg9 : memref<200x64xf32, #tpu.memory_space<vmem>>) target(%dma_start3A_152 : memref<200x64xf32, #tpu.memory_space<hbm>>) target_semaphore(%arg17 : memref<!tpu.dma_semaphore, #tpu.memory_space<semaphore_mem>>)
      %add3A_153 = arith.constant 3 : i32
      %add3A_154 = arith.addi %add3A_132, %add3A_153 : i32
      %ge3A_155 = arith.constant 1 : i32
      %ge3A_156 = arith.cmpi sge, %add3A_132, %ge3A_155 : i32
      %lt3A_157 = arith.constant 32 : i32
      %lt3A_158 = arith.cmpi slt, %add3A_154, %lt3A_157 : i32
      %and3A_159 = arith.andi %ge3A_156, %lt3A_158 : i1
      %convert_element_type3A_160 = arith.extui %and3A_159 : i1 to i32
      %cond3A_161 = arith.constant 0 : i32
      %cond3A_162 = arith.cmpi ne, %convert_element_type3A_160, %cond3A_161 : i32
      scf.if %cond3A_162 {
        %dma_wait3A_246 = arith.constant 0 : i32
        %dma_wait3A_247 = arith.constant 0 : i32
        %dma_wait3A_248 = tpu.memref_slice %arg5[%mul3A_4, %dma_wait3A_246, %dma_wait3A_247] : memref<1024x200x64xf32, #tpu.memory_space<hbm>> -> memref<1x200x64xf32, #tpu.memory_space<hbm>>
        %dma_wait3A_249 = tpu.memref_squeeze %dma_wait3A_248 : memref<1x200x64xf32, #tpu.memory_space<hbm>> -> memref<200x64xf32, #tpu.memory_space<hbm>>
        %dma_wait3A_250 = arith.constant 0 : i32
        %dma_wait3A_251 = arith.constant 0 : i32
        %dma_wait3A_252 = tpu.memref_slice %arg5[%mul3A_4, %dma_wait3A_250, %dma_wait3A_251] : memref<1024x200x64xf32, #tpu.memory_space<hbm>> -> memref<1x200x64xf32, #tpu.memory_space<hbm>>
        %dma_wait3A_253 = tpu.memref_squeeze %dma_wait3A_252 : memref<1x200x64xf32, #tpu.memory_space<hbm>> -> memref<200x64xf32, #tpu.memory_space<hbm>>
        tpu.wait_dma2 semaphore(%arg16 : memref<!tpu.dma_semaphore, #tpu.memory_space<semaphore_mem>>) src(%arg8 : memref<200x64xf32, #tpu.memory_space<vmem>>) dst(%dma_wait3A_253 : memref<200x64xf32, #tpu.memory_space<hbm>>)
      } else {
      }
      %lt3A_163 = arith.constant 32 : i32
      %lt3A_164 = arith.cmpi slt, %add3A_154, %lt3A_163 : i32
      %convert_element_type3A_165 = arith.extui %lt3A_164 : i1 to i32
      %cond3A_166 = arith.constant 0 : i32
      %cond3A_167 = arith.cmpi ne, %convert_element_type3A_165, %cond3A_166 : i32
      scf.if %cond3A_167 {
        %mul3A_246 = arith.constant 200 : i32
        %mul3A_247 = arith.muli %add3A_154, %mul3A_246 : i32
        %multiple_of3A_248 = tpu.assume_multiple %mul3A_247, 8 : i32
        %mul3A_249 = arith.constant 200 : i32
        %mul3A_250 = arith.muli %add3A_154, %mul3A_249 : i32
        %add3A_251 = arith.constant 104 : i32
        %add3A_252 = arith.addi %mul3A_250, %add3A_251 : i32
        %multiple_of3A_253 = tpu.assume_multiple %add3A_252, 8 : i32
        %dma_start3A_254 = arith.constant 0 : i32
        %dma_start3A_255 = arith.constant 0 : i32
        %dma_start3A_256 = tpu.memref_slice %arg8[%dma_start3A_254, %dma_start3A_255] : memref<200x64xf32, #tpu.memory_space<vmem>> -> memref<104x64xf32, #tpu.memory_space<vmem>>
        %dma_start3A_257 = tpu.memref_slice %arg6[%multiple_of3A_248] : memref<6400xi32, #tpu.memory_space<vmem>> -> memref<104xi32, #tpu.memory_space<vmem>>
        %dma_start3A_258 = arith.constant 0 : i32
        %dma_start3A_259 = arith.constant 0 : i32
        %dma_start3A_260 = tpu.memref_slice %arg3[%dma_start3A_258, %dma_start3A_259] : memref<1000000x64xf32, #tpu.memory_space<hbm>> -> memref<1000000x64xf32, #tpu.memory_space<hbm>>
        tpu.enqueue_indirect_dma source(%dma_start3A_260 : memref<1000000x64xf32, #tpu.memory_space<hbm>>) target(%dma_start3A_256 : memref<104x64xf32, #tpu.memory_space<vmem>>) offsets(%dma_start3A_257 : memref<104xi32, #tpu.memory_space<vmem>>) semaphore(%arg12 : memref<!tpu.dma_semaphore, #tpu.memory_space<semaphore_mem>>)
        %dma_start3A_261 = arith.constant 104 : i32
        %dma_start3A_262 = arith.constant 0 : i32
        %dma_start3A_263 = tpu.memref_slice %arg8[%dma_start3A_261, %dma_start3A_262] : memref<200x64xf32, #tpu.memory_space<vmem>> -> memref<96x64xf32, #tpu.memory_space<vmem>>
        %dma_start3A_264 = tpu.memref_slice %arg6[%multiple_of3A_253] : memref<6400xi32, #tpu.memory_space<vmem>> -> memref<96xi32, #tpu.memory_space<vmem>>
        %dma_start3A_265 = arith.constant 0 : i32
        %dma_start3A_266 = arith.constant 0 : i32
        %dma_start3A_267 = tpu.memref_slice %arg3[%dma_start3A_265, %dma_start3A_266] : memref<1000000x64xf32, #tpu.memory_space<hbm>> -> memref<1000000x64xf32, #tpu.memory_space<hbm>>
        tpu.enqueue_indirect_dma source(%dma_start3A_267 : memref<1000000x64xf32, #tpu.memory_space<hbm>>) target(%dma_start3A_263 : memref<96x64xf32, #tpu.memory_space<vmem>>) offsets(%dma_start3A_264 : memref<96xi32, #tpu.memory_space<vmem>>) semaphore(%arg12 : memref<!tpu.dma_semaphore, #tpu.memory_space<semaphore_mem>>)
      } else {
      }
      %mul3A_168 = arith.constant 4 : i32
      %mul3A_169 = arith.muli %mul3A_168, %scan3A_94 : i32
      %add3A_170 = arith.constant 2 : i32
      %add3A_171 = arith.addi %mul3A_169, %add3A_170 : i32
      %dma_wait3A_172 = arith.constant 0 : i32
      %dma_wait3A_173 = tpu.memref_slice %arg6[%dma_wait3A_172] : memref<6400xi32, #tpu.memory_space<vmem>> -> memref<200xi32, #tpu.memory_space<vmem>>
      %dma_wait3A_174 = arith.constant 0 : i32
      %dma_wait3A_175 = arith.constant 0 : i32
      %dma_wait3A_176 = tpu.memref_slice %arg3[%dma_wait3A_174, %dma_wait3A_175] : memref<1000000x64xf32, #tpu.memory_space<hbm>> -> memref<1000000x64xf32, #tpu.memory_space<hbm>>
      tpu.wait_indirect_dma semaphore(%arg14 : memref<!tpu.dma_semaphore, #tpu.memory_space<semaphore_mem>>) src(%dma_wait3A_176 : memref<1000000x64xf32, #tpu.memory_space<hbm>>) dst(%arg10 : memref<200x64xf32, #tpu.memory_space<vmem>>)
      %scan3A_177 = arith.constant 0 : i32
      %scan3A_178 = arith.constant 0 : i32
      %scan3A_179 = arith.constant 200 : i32
      %scan3A_180 = arith.addi %scan3A_178, %scan3A_179 : i32
      %scan3A_181 = arith.constant 4 : i32
      scf.for %scan3A_246 = %scan3A_178 to %scan3A_180 step %scan3A_181  : i32 {
        %get3A = arith.index_cast %scan3A_246 : i32 to index
        %get3A_247 = arith.constant 0 : index
        %get3A_248 = tpu.vector_load %arg10[%get3A, %get3A_247] {strides = array<i32>} : memref<200x64xf32, #tpu.memory_space<vmem>>, vector<1x16xf32>,
        %get3A_249 = vector.shape_cast %get3A_248 : vector<1x16xf32> to vector<16xf32>
        %get3A_250 = arith.index_cast %scan3A_246 : i32 to index
        %get3A_251 = arith.constant 0 : index
        %get3A_252 = tpu.vector_load %arg7[%get3A_250, %get3A_251] {strides = array<i32>} : memref<200x64xf32, #tpu.memory_space<vmem>>, vector<1x16xf32>,
        %get3A_253 = vector.shape_cast %get3A_252 : vector<1x16xf32> to vector<16xf32>
        %add3A_254 = arith.addf %get3A_249, %get3A_253 : vector<16xf32>
        %swap3A = arith.index_cast %scan3A_246 : i32 to index
        %swap3A_255 = arith.constant 0 : index
        %swap3A_256 = tpu.vector_load %arg10[%swap3A, %swap3A_255] {strides = array<i32>} : memref<200x64xf32, #tpu.memory_space<vmem>>, vector<1x16xf32>,
        %swap3A_257 = vector.shape_cast %swap3A_256 : vector<1x16xf32> to vector<16xf32>
        %swap3A_258 = vector.shape_cast %add3A_254 : vector<16xf32> to vector<1x16xf32>
        tpu.vector_store %arg10[%swap3A, %swap3A_255], %swap3A_258 {strides = array<i32>} : memref<200x64xf32, #tpu.memory_space<vmem>>, vector<1x16xf32>,
        %get3A_259 = arith.index_cast %scan3A_246 : i32 to index
        %get3A_260 = arith.constant 16 : index
        %get3A_261 = tpu.vector_load %arg10[%get3A_259, %get3A_260] {strides = array<i32>} : memref<200x64xf32, #tpu.memory_space<vmem>>, vector<1x16xf32>,
        %get3A_262 = vector.shape_cast %get3A_261 : vector<1x16xf32> to vector<16xf32>
        %get3A_263 = arith.index_cast %scan3A_246 : i32 to index
        %get3A_264 = arith.constant 16 : index
        %get3A_265 = tpu.vector_load %arg7[%get3A_263, %get3A_264] {strides = array<i32>} : memref<200x64xf32, #tpu.memory_space<vmem>>, vector<1x16xf32>,
        %get3A_266 = vector.shape_cast %get3A_265 : vector<1x16xf32> to vector<16xf32>
        %add3A_267 = arith.addf %get3A_262, %get3A_266 : vector<16xf32>
        %swap3A_268 = arith.index_cast %scan3A_246 : i32 to index
        %swap3A_269 = arith.constant 16 : index
        %swap3A_270 = tpu.vector_load %arg10[%swap3A_268, %swap3A_269] {strides = array<i32>} : memref<200x64xf32, #tpu.memory_space<vmem>>, vector<1x16xf32>,
        %swap3A_271 = vector.shape_cast %swap3A_270 : vector<1x16xf32> to vector<16xf32>
        %swap3A_272 = vector.shape_cast %add3A_267 : vector<16xf32> to vector<1x16xf32>
        tpu.vector_store %arg10[%swap3A_268, %swap3A_269], %swap3A_272 {strides = array<i32>} : memref<200x64xf32, #tpu.memory_space<vmem>>, vector<1x16xf32>,
        %get3A_273 = arith.index_cast %scan3A_246 : i32 to index
        %get3A_274 = arith.constant 32 : index
        %get3A_275 = tpu.vector_load %arg10[%get3A_273, %get3A_274] {strides = array<i32>} : memref<200x64xf32, #tpu.memory_space<vmem>>, vector<1x16xf32>,
        %get3A_276 = vector.shape_cast %get3A_275 : vector<1x16xf32> to vector<16xf32>
        %get3A_277 = arith.index_cast %scan3A_246 : i32 to index
        %get3A_278 = arith.constant 32 : index
        %get3A_279 = tpu.vector_load %arg7[%get3A_277, %get3A_278] {strides = array<i32>} : memref<200x64xf32, #tpu.memory_space<vmem>>, vector<1x16xf32>,
        %get3A_280 = vector.shape_cast %get3A_279 : vector<1x16xf32> to vector<16xf32>
        %add3A_281 = arith.addf %get3A_276, %get3A_280 : vector<16xf32>
        %swap3A_282 = arith.index_cast %scan3A_246 : i32 to index
        %swap3A_283 = arith.constant 32 : index
        %swap3A_284 = tpu.vector_load %arg10[%swap3A_282, %swap3A_283] {strides = array<i32>} : memref<200x64xf32, #tpu.memory_space<vmem>>, vector<1x16xf32>,
        %swap3A_285 = vector.shape_cast %swap3A_284 : vector<1x16xf32> to vector<16xf32>
        %swap3A_286 = vector.shape_cast %add3A_281 : vector<16xf32> to vector<1x16xf32>
        tpu.vector_store %arg10[%swap3A_282, %swap3A_283], %swap3A_286 {strides = array<i32>} : memref<200x64xf32, #tpu.memory_space<vmem>>, vector<1x16xf32>,
        %get3A_287 = arith.index_cast %scan3A_246 : i32 to index
        %get3A_288 = arith.constant 48 : index
        %get3A_289 = tpu.vector_load %arg10[%get3A_287, %get3A_288] {strides = array<i32>} : memref<200x64xf32, #tpu.memory_space<vmem>>, vector<1x16xf32>,
        %get3A_290 = vector.shape_cast %get3A_289 : vector<1x16xf32> to vector<16xf32>
        %get3A_291 = arith.index_cast %scan3A_246 : i32 to index
        %get3A_292 = arith.constant 48 : index
        %get3A_293 = tpu.vector_load %arg7[%get3A_291, %get3A_292] {strides = array<i32>} : memref<200x64xf32, #tpu.memory_space<vmem>>, vector<1x16xf32>,
        %get3A_294 = vector.shape_cast %get3A_293 : vector<1x16xf32> to vector<16xf32>
        %add3A_295 = arith.addf %get3A_290, %get3A_294 : vector<16xf32>
        %swap3A_296 = arith.index_cast %scan3A_246 : i32 to index
        %swap3A_297 = arith.constant 48 : index
        %swap3A_298 = tpu.vector_load %arg10[%swap3A_296, %swap3A_297] {strides = array<i32>} : memref<200x64xf32, #tpu.memory_space<vmem>>, vector<1x16xf32>,
        %swap3A_299 = vector.shape_cast %swap3A_298 : vector<1x16xf32> to vector<16xf32>
        %swap3A_300 = vector.shape_cast %add3A_295 : vector<16xf32> to vector<1x16xf32>
        tpu.vector_store %arg10[%swap3A_296, %swap3A_297], %swap3A_300 {strides = array<i32>} : memref<200x64xf32, #tpu.memory_space<vmem>>, vector<1x16xf32>,
        %scan3A_301 = arith.constant 1 : i32
        %scan3A_302 = arith.addi %scan3A_246, %scan3A_301 : i32
        %get3A_303 = arith.index_cast %scan3A_302 : i32 to index
        %get3A_304 = arith.constant 0 : index
        %get3A_305 = tpu.vector_load %arg10[%get3A_303, %get3A_304] {strides = array<i32>} : memref<200x64xf32, #tpu.memory_space<vmem>>, vector<1x16xf32>,
        %get3A_306 = vector.shape_cast %get3A_305 : vector<1x16xf32> to vector<16xf32>
        %get3A_307 = arith.index_cast %scan3A_302 : i32 to index
        %get3A_308 = arith.constant 0 : index
        %get3A_309 = tpu.vector_load %arg7[%get3A_307, %get3A_308] {strides = array<i32>} : memref<200x64xf32, #tpu.memory_space<vmem>>, vector<1x16xf32>,
        %get3A_310 = vector.shape_cast %get3A_309 : vector<1x16xf32> to vector<16xf32>
        %add3A_311 = arith.addf %get3A_306, %get3A_310 : vector<16xf32>
        %swap3A_312 = arith.index_cast %scan3A_302 : i32 to index
        %swap3A_313 = arith.constant 0 : index
        %swap3A_314 = tpu.vector_load %arg10[%swap3A_312, %swap3A_313] {strides = array<i32>} : memref<200x64xf32, #tpu.memory_space<vmem>>, vector<1x16xf32>,
        %swap3A_315 = vector.shape_cast %swap3A_314 : vector<1x16xf32> to vector<16xf32>
        %swap3A_316 = vector.shape_cast %add3A_311 : vector<16xf32> to vector<1x16xf32>
        tpu.vector_store %arg10[%swap3A_312, %swap3A_313], %swap3A_316 {strides = array<i32>} : memref<200x64xf32, #tpu.memory_space<vmem>>, vector<1x16xf32>,
        %get3A_317 = arith.index_cast %scan3A_302 : i32 to index
        %get3A_318 = arith.constant 16 : index
        %get3A_319 = tpu.vector_load %arg10[%get3A_317, %get3A_318] {strides = array<i32>} : memref<200x64xf32, #tpu.memory_space<vmem>>, vector<1x16xf32>,
        %get3A_320 = vector.shape_cast %get3A_319 : vector<1x16xf32> to vector<16xf32>
        %get3A_321 = arith.index_cast %scan3A_302 : i32 to index
        %get3A_322 = arith.constant 16 : index
        %get3A_323 = tpu.vector_load %arg7[%get3A_321, %get3A_322] {strides = array<i32>} : memref<200x64xf32, #tpu.memory_space<vmem>>, vector<1x16xf32>,
        %get3A_324 = vector.shape_cast %get3A_323 : vector<1x16xf32> to vector<16xf32>
        %add3A_325 = arith.addf %get3A_320, %get3A_324 : vector<16xf32>
        %swap3A_326 = arith.index_cast %scan3A_302 : i32 to index
        %swap3A_327 = arith.constant 16 : index
        %swap3A_328 = tpu.vector_load %arg10[%swap3A_326, %swap3A_327] {strides = array<i32>} : memref<200x64xf32, #tpu.memory_space<vmem>>, vector<1x16xf32>,
        %swap3A_329 = vector.shape_cast %swap3A_328 : vector<1x16xf32> to vector<16xf32>
        %swap3A_330 = vector.shape_cast %add3A_325 : vector<16xf32> to vector<1x16xf32>
        tpu.vector_store %arg10[%swap3A_326, %swap3A_327], %swap3A_330 {strides = array<i32>} : memref<200x64xf32, #tpu.memory_space<vmem>>, vector<1x16xf32>,
        %get3A_331 = arith.index_cast %scan3A_302 : i32 to index
        %get3A_332 = arith.constant 32 : index
        %get3A_333 = tpu.vector_load %arg10[%get3A_331, %get3A_332] {strides = array<i32>} : memref<200x64xf32, #tpu.memory_space<vmem>>, vector<1x16xf32>,
        %get3A_334 = vector.shape_cast %get3A_333 : vector<1x16xf32> to vector<16xf32>
        %get3A_335 = arith.index_cast %scan3A_302 : i32 to index
        %get3A_336 = arith.constant 32 : index
        %get3A_337 = tpu.vector_load %arg7[%get3A_335, %get3A_336] {strides = array<i32>} : memref<200x64xf32, #tpu.memory_space<vmem>>, vector<1x16xf32>,
        %get3A_338 = vector.shape_cast %get3A_337 : vector<1x16xf32> to vector<16xf32>
        %add3A_339 = arith.addf %get3A_334, %get3A_338 : vector<16xf32>
        %swap3A_340 = arith.index_cast %scan3A_302 : i32 to index
        %swap3A_341 = arith.constant 32 : index
        %swap3A_342 = tpu.vector_load %arg10[%swap3A_340, %swap3A_341] {strides = array<i32>} : memref<200x64xf32, #tpu.memory_space<vmem>>, vector<1x16xf32>,
        %swap3A_343 = vector.shape_cast %swap3A_342 : vector<1x16xf32> to vector<16xf32>
        %swap3A_344 = vector.shape_cast %add3A_339 : vector<16xf32> to vector<1x16xf32>
        tpu.vector_store %arg10[%swap3A_340, %swap3A_341], %swap3A_344 {strides = array<i32>} : memref<200x64xf32, #tpu.memory_space<vmem>>, vector<1x16xf32>,
        %get3A_345 = arith.index_cast %scan3A_302 : i32 to index
        %get3A_346 = arith.constant 48 : index
        %get3A_347 = tpu.vector_load %arg10[%get3A_345, %get3A_346] {strides = array<i32>} : memref<200x64xf32, #tpu.memory_space<vmem>>, vector<1x16xf32>,
        %get3A_348 = vector.shape_cast %get3A_347 : vector<1x16xf32> to vector<16xf32>
        %get3A_349 = arith.index_cast %scan3A_302 : i32 to index
        %get3A_350 = arith.constant 48 : index
        %get3A_351 = tpu.vector_load %arg7[%get3A_349, %get3A_350] {strides = array<i32>} : memref<200x64xf32, #tpu.memory_space<vmem>>, vector<1x16xf32>,
        %get3A_352 = vector.shape_cast %get3A_351 : vector<1x16xf32> to vector<16xf32>
        %add3A_353 = arith.addf %get3A_348, %get3A_352 : vector<16xf32>
        %swap3A_354 = arith.index_cast %scan3A_302 : i32 to index
        %swap3A_355 = arith.constant 48 : index
        %swap3A_356 = tpu.vector_load %arg10[%swap3A_354, %swap3A_355] {strides = array<i32>} : memref<200x64xf32, #tpu.memory_space<vmem>>, vector<1x16xf32>,
        %swap3A_357 = vector.shape_cast %swap3A_356 : vector<1x16xf32> to vector<16xf32>
        %swap3A_358 = vector.shape_cast %add3A_353 : vector<16xf32> to vector<1x16xf32>
        tpu.vector_store %arg10[%swap3A_354, %swap3A_355], %swap3A_358 {strides = array<i32>} : memref<200x64xf32, #tpu.memory_space<vmem>>, vector<1x16xf32>,
        %scan3A_359 = arith.constant 2 : i32
        %scan3A_360 = arith.addi %scan3A_246, %scan3A_359 : i32
        %get3A_361 = arith.index_cast %scan3A_360 : i32 to index
        %get3A_362 = arith.constant 0 : index
        %get3A_363 = tpu.vector_load %arg10[%get3A_361, %get3A_362] {strides = array<i32>} : memref<200x64xf32, #tpu.memory_space<vmem>>, vector<1x16xf32>,
        %get3A_364 = vector.shape_cast %get3A_363 : vector<1x16xf32> to vector<16xf32>
        %get3A_365 = arith.index_cast %scan3A_360 : i32 to index
        %get3A_366 = arith.constant 0 : index
        %get3A_367 = tpu.vector_load %arg7[%get3A_365, %get3A_366] {strides = array<i32>} : memref<200x64xf32, #tpu.memory_space<vmem>>, vector<1x16xf32>,
        %get3A_368 = vector.shape_cast %get3A_367 : vector<1x16xf32> to vector<16xf32>
        %add3A_369 = arith.addf %get3A_364, %get3A_368 : vector<16xf32>
        %swap3A_370 = arith.index_cast %scan3A_360 : i32 to index
        %swap3A_371 = arith.constant 0 : index
        %swap3A_372 = tpu.vector_load %arg10[%swap3A_370, %swap3A_371] {strides = array<i32>} : memref<200x64xf32, #tpu.memory_space<vmem>>, vector<1x16xf32>,
        %swap3A_373 = vector.shape_cast %swap3A_372 : vector<1x16xf32> to vector<16xf32>
        %swap3A_374 = vector.shape_cast %add3A_369 : vector<16xf32> to vector<1x16xf32>
        tpu.vector_store %arg10[%swap3A_370, %swap3A_371], %swap3A_374 {strides = array<i32>} : memref<200x64xf32, #tpu.memory_space<vmem>>, vector<1x16xf32>,
        %get3A_375 = arith.index_cast %scan3A_360 : i32 to index
        %get3A_376 = arith.constant 16 : index
        %get3A_377 = tpu.vector_load %arg10[%get3A_375, %get3A_376] {strides = array<i32>} : memref<200x64xf32, #tpu.memory_space<vmem>>, vector<1x16xf32>,
        %get3A_378 = vector.shape_cast %get3A_377 : vector<1x16xf32> to vector<16xf32>
        %get3A_379 = arith.index_cast %scan3A_360 : i32 to index
        %get3A_380 = arith.constant 16 : index
        %get3A_381 = tpu.vector_load %arg7[%get3A_379, %get3A_380] {strides = array<i32>} : memref<200x64xf32, #tpu.memory_space<vmem>>, vector<1x16xf32>,
        %get3A_382 = vector.shape_cast %get3A_381 : vector<1x16xf32> to vector<16xf32>
        %add3A_383 = arith.addf %get3A_378, %get3A_382 : vector<16xf32>
        %swap3A_384 = arith.index_cast %scan3A_360 : i32 to index
        %swap3A_385 = arith.constant 16 : index
        %swap3A_386 = tpu.vector_load %arg10[%swap3A_384, %swap3A_385] {strides = array<i32>} : memref<200x64xf32, #tpu.memory_space<vmem>>, vector<1x16xf32>,
        %swap3A_387 = vector.shape_cast %swap3A_386 : vector<1x16xf32> to vector<16xf32>
        %swap3A_388 = vector.shape_cast %add3A_383 : vector<16xf32> to vector<1x16xf32>
        tpu.vector_store %arg10[%swap3A_384, %swap3A_385], %swap3A_388 {strides = array<i32>} : memref<200x64xf32, #tpu.memory_space<vmem>>, vector<1x16xf32>,
        %get3A_389 = arith.index_cast %scan3A_360 : i32 to index
        %get3A_390 = arith.constant 32 : index
        %get3A_391 = tpu.vector_load %arg10[%get3A_389, %get3A_390] {strides = array<i32>} : memref<200x64xf32, #tpu.memory_space<vmem>>, vector<1x16xf32>,
        %get3A_392 = vector.shape_cast %get3A_391 : vector<1x16xf32> to vector<16xf32>
        %get3A_393 = arith.index_cast %scan3A_360 : i32 to index
        %get3A_394 = arith.constant 32 : index
        %get3A_395 = tpu.vector_load %arg7[%get3A_393, %get3A_394] {strides = array<i32>} : memref<200x64xf32, #tpu.memory_space<vmem>>, vector<1x16xf32>,
        %get3A_396 = vector.shape_cast %get3A_395 : vector<1x16xf32> to vector<16xf32>
        %add3A_397 = arith.addf %get3A_392, %get3A_396 : vector<16xf32>
        %swap3A_398 = arith.index_cast %scan3A_360 : i32 to index
        %swap3A_399 = arith.constant 32 : index
        %swap3A_400 = tpu.vector_load %arg10[%swap3A_398, %swap3A_399] {strides = array<i32>} : memref<200x64xf32, #tpu.memory_space<vmem>>, vector<1x16xf32>,
        %swap3A_401 = vector.shape_cast %swap3A_400 : vector<1x16xf32> to vector<16xf32>
        %swap3A_402 = vector.shape_cast %add3A_397 : vector<16xf32> to vector<1x16xf32>
        tpu.vector_store %arg10[%swap3A_398, %swap3A_399], %swap3A_402 {strides = array<i32>} : memref<200x64xf32, #tpu.memory_space<vmem>>, vector<1x16xf32>,
        %get3A_403 = arith.index_cast %scan3A_360 : i32 to index
        %get3A_404 = arith.constant 48 : index
        %get3A_405 = tpu.vector_load %arg10[%get3A_403, %get3A_404] {strides = array<i32>} : memref<200x64xf32, #tpu.memory_space<vmem>>, vector<1x16xf32>,
        %get3A_406 = vector.shape_cast %get3A_405 : vector<1x16xf32> to vector<16xf32>
        %get3A_407 = arith.index_cast %scan3A_360 : i32 to index
        %get3A_408 = arith.constant 48 : index
        %get3A_409 = tpu.vector_load %arg7[%get3A_407, %get3A_408] {strides = array<i32>} : memref<200x64xf32, #tpu.memory_space<vmem>>, vector<1x16xf32>,
        %get3A_410 = vector.shape_cast %get3A_409 : vector<1x16xf32> to vector<16xf32>
        %add3A_411 = arith.addf %get3A_406, %get3A_410 : vector<16xf32>
        %swap3A_412 = arith.index_cast %scan3A_360 : i32 to index
        %swap3A_413 = arith.constant 48 : index
        %swap3A_414 = tpu.vector_load %arg10[%swap3A_412, %swap3A_413] {strides = array<i32>} : memref<200x64xf32, #tpu.memory_space<vmem>>, vector<1x16xf32>,
        %swap3A_415 = vector.shape_cast %swap3A_414 : vector<1x16xf32> to vector<16xf32>
        %swap3A_416 = vector.shape_cast %add3A_411 : vector<16xf32> to vector<1x16xf32>
        tpu.vector_store %arg10[%swap3A_412, %swap3A_413], %swap3A_416 {strides = array<i32>} : memref<200x64xf32, #tpu.memory_space<vmem>>, vector<1x16xf32>,
        %scan3A_417 = arith.constant 3 : i32
        %scan3A_418 = arith.addi %scan3A_246, %scan3A_417 : i32
        %get3A_419 = arith.index_cast %scan3A_418 : i32 to index
        %get3A_420 = arith.constant 0 : index
        %get3A_421 = tpu.vector_load %arg10[%get3A_419, %get3A_420] {strides = array<i32>} : memref<200x64xf32, #tpu.memory_space<vmem>>, vector<1x16xf32>,
        %get3A_422 = vector.shape_cast %get3A_421 : vector<1x16xf32> to vector<16xf32>
        %get3A_423 = arith.index_cast %scan3A_418 : i32 to index
        %get3A_424 = arith.constant 0 : index
        %get3A_425 = tpu.vector_load %arg7[%get3A_423, %get3A_424] {strides = array<i32>} : memref<200x64xf32, #tpu.memory_space<vmem>>, vector<1x16xf32>,
        %get3A_426 = vector.shape_cast %get3A_425 : vector<1x16xf32> to vector<16xf32>
        %add3A_427 = arith.addf %get3A_422, %get3A_426 : vector<16xf32>
        %swap3A_428 = arith.index_cast %scan3A_418 : i32 to index
        %swap3A_429 = arith.constant 0 : index
        %swap3A_430 = tpu.vector_load %arg10[%swap3A_428, %swap3A_429] {strides = array<i32>} : memref<200x64xf32, #tpu.memory_space<vmem>>, vector<1x16xf32>,
        %swap3A_431 = vector.shape_cast %swap3A_430 : vector<1x16xf32> to vector<16xf32>
        %swap3A_432 = vector.shape_cast %add3A_427 : vector<16xf32> to vector<1x16xf32>
        tpu.vector_store %arg10[%swap3A_428, %swap3A_429], %swap3A_432 {strides = array<i32>} : memref<200x64xf32, #tpu.memory_space<vmem>>, vector<1x16xf32>,
        %get3A_433 = arith.index_cast %scan3A_418 : i32 to index
        %get3A_434 = arith.constant 16 : index
        %get3A_435 = tpu.vector_load %arg10[%get3A_433, %get3A_434] {strides = array<i32>} : memref<200x64xf32, #tpu.memory_space<vmem>>, vector<1x16xf32>,
        %get3A_436 = vector.shape_cast %get3A_435 : vector<1x16xf32> to vector<16xf32>
        %get3A_437 = arith.index_cast %scan3A_418 : i32 to index
        %get3A_438 = arith.constant 16 : index
        %get3A_439 = tpu.vector_load %arg7[%get3A_437, %get3A_438] {strides = array<i32>} : memref<200x64xf32, #tpu.memory_space<vmem>>, vector<1x16xf32>,
        %get3A_440 = vector.shape_cast %get3A_439 : vector<1x16xf32> to vector<16xf32>
        %add3A_441 = arith.addf %get3A_436, %get3A_440 : vector<16xf32>
        %swap3A_442 = arith.index_cast %scan3A_418 : i32 to index
        %swap3A_443 = arith.constant 16 : index
        %swap3A_444 = tpu.vector_load %arg10[%swap3A_442, %swap3A_443] {strides = array<i32>} : memref<200x64xf32, #tpu.memory_space<vmem>>, vector<1x16xf32>,
        %swap3A_445 = vector.shape_cast %swap3A_444 : vector<1x16xf32> to vector<16xf32>
        %swap3A_446 = vector.shape_cast %add3A_441 : vector<16xf32> to vector<1x16xf32>
        tpu.vector_store %arg10[%swap3A_442, %swap3A_443], %swap3A_446 {strides = array<i32>} : memref<200x64xf32, #tpu.memory_space<vmem>>, vector<1x16xf32>,
        %get3A_447 = arith.index_cast %scan3A_418 : i32 to index
        %get3A_448 = arith.constant 32 : index
        %get3A_449 = tpu.vector_load %arg10[%get3A_447, %get3A_448] {strides = array<i32>} : memref<200x64xf32, #tpu.memory_space<vmem>>, vector<1x16xf32>,
        %get3A_450 = vector.shape_cast %get3A_449 : vector<1x16xf32> to vector<16xf32>
        %get3A_451 = arith.index_cast %scan3A_418 : i32 to index
        %get3A_452 = arith.constant 32 : index
        %get3A_453 = tpu.vector_load %arg7[%get3A_451, %get3A_452] {strides = array<i32>} : memref<200x64xf32, #tpu.memory_space<vmem>>, vector<1x16xf32>,
        %get3A_454 = vector.shape_cast %get3A_453 : vector<1x16xf32> to vector<16xf32>
        %add3A_455 = arith.addf %get3A_450, %get3A_454 : vector<16xf32>
        %swap3A_456 = arith.index_cast %scan3A_418 : i32 to index
        %swap3A_457 = arith.constant 32 : index
        %swap3A_458 = tpu.vector_load %arg10[%swap3A_456, %swap3A_457] {strides = array<i32>} : memref<200x64xf32, #tpu.memory_space<vmem>>, vector<1x16xf32>,
        %swap3A_459 = vector.shape_cast %swap3A_458 : vector<1x16xf32> to vector<16xf32>
        %swap3A_460 = vector.shape_cast %add3A_455 : vector<16xf32> to vector<1x16xf32>
        tpu.vector_store %arg10[%swap3A_456, %swap3A_457], %swap3A_460 {strides = array<i32>} : memref<200x64xf32, #tpu.memory_space<vmem>>, vector<1x16xf32>,
        %get3A_461 = arith.index_cast %scan3A_418 : i32 to index
        %get3A_462 = arith.constant 48 : index
        %get3A_463 = tpu.vector_load %arg10[%get3A_461, %get3A_462] {strides = array<i32>} : memref<200x64xf32, #tpu.memory_space<vmem>>, vector<1x16xf32>,
        %get3A_464 = vector.shape_cast %get3A_463 : vector<1x16xf32> to vector<16xf32>
        %get3A_465 = arith.index_cast %scan3A_418 : i32 to index
        %get3A_466 = arith.constant 48 : index
        %get3A_467 = tpu.vector_load %arg7[%get3A_465, %get3A_466] {strides = array<i32>} : memref<200x64xf32, #tpu.memory_space<vmem>>, vector<1x16xf32>,
        %get3A_468 = vector.shape_cast %get3A_467 : vector<1x16xf32> to vector<16xf32>
        %add3A_469 = arith.addf %get3A_464, %get3A_468 : vector<16xf32>
        %swap3A_470 = arith.index_cast %scan3A_418 : i32 to index
        %swap3A_471 = arith.constant 48 : index
        %swap3A_472 = tpu.vector_load %arg10[%swap3A_470, %swap3A_471] {strides = array<i32>} : memref<200x64xf32, #tpu.memory_space<vmem>>, vector<1x16xf32>,
        %swap3A_473 = vector.shape_cast %swap3A_472 : vector<1x16xf32> to vector<16xf32>
        %swap3A_474 = vector.shape_cast %add3A_469 : vector<16xf32> to vector<1x16xf32>
        tpu.vector_store %arg10[%swap3A_470, %swap3A_471], %swap3A_474 {strides = array<i32>} : memref<200x64xf32, #tpu.memory_space<vmem>>, vector<1x16xf32>,
      }
      %scan3A_182 = arith.constant 200 : i32
      %add3A_183 = arith.addi %mul3A_4, %add3A_171 : i32
      %dma_start3A_184 = arith.constant 0 : i32
      %dma_start3A_185 = arith.constant 0 : i32
      %dma_start3A_186 = tpu.memref_slice %arg5[%add3A_183, %dma_start3A_184, %dma_start3A_185] : memref<1024x200x64xf32, #tpu.memory_space<hbm>> -> memref<1x200x64xf32, #tpu.memory_space<hbm>>
      %dma_start3A_187 = tpu.memref_squeeze %dma_start3A_186 : memref<1x200x64xf32, #tpu.memory_space<hbm>> -> memref<200x64xf32, #tpu.memory_space<hbm>>
      %dma_start3A_188 = arith.constant 0 : i32
      %dma_start3A_189 = arith.constant 0 : i32
      %dma_start3A_190 = tpu.memref_slice %arg5[%add3A_183, %dma_start3A_188, %dma_start3A_189] : memref<1024x200x64xf32, #tpu.memory_space<hbm>> -> memref<1x200x64xf32, #tpu.memory_space<hbm>>
      %dma_start3A_191 = tpu.memref_squeeze %dma_start3A_190 : memref<1x200x64xf32, #tpu.memory_space<hbm>> -> memref<200x64xf32, #tpu.memory_space<hbm>>
      tpu.enqueue_dma source(%arg10 : memref<200x64xf32, #tpu.memory_space<vmem>>) target(%dma_start3A_191 : memref<200x64xf32, #tpu.memory_space<hbm>>) target_semaphore(%arg18 : memref<!tpu.dma_semaphore, #tpu.memory_space<semaphore_mem>>)
      %add3A_192 = arith.constant 3 : i32
      %add3A_193 = arith.addi %add3A_171, %add3A_192 : i32
      %ge3A_194 = arith.constant 1 : i32
      %ge3A_195 = arith.cmpi sge, %add3A_171, %ge3A_194 : i32
      %lt3A_196 = arith.constant 32 : i32
      %lt3A_197 = arith.cmpi slt, %add3A_193, %lt3A_196 : i32
      %and3A_198 = arith.andi %ge3A_195, %lt3A_197 : i1
      %convert_element_type3A_199 = arith.extui %and3A_198 : i1 to i32
      %cond3A_200 = arith.constant 0 : i32
      %cond3A_201 = arith.cmpi ne, %convert_element_type3A_199, %cond3A_200 : i32
      scf.if %cond3A_201 {
        %dma_wait3A_246 = arith.constant 0 : i32
        %dma_wait3A_247 = arith.constant 0 : i32
        %dma_wait3A_248 = tpu.memref_slice %arg5[%mul3A_4, %dma_wait3A_246, %dma_wait3A_247] : memref<1024x200x64xf32, #tpu.memory_space<hbm>> -> memref<1x200x64xf32, #tpu.memory_space<hbm>>
        %dma_wait3A_249 = tpu.memref_squeeze %dma_wait3A_248 : memref<1x200x64xf32, #tpu.memory_space<hbm>> -> memref<200x64xf32, #tpu.memory_space<hbm>>
        %dma_wait3A_250 = arith.constant 0 : i32
        %dma_wait3A_251 = arith.constant 0 : i32
        %dma_wait3A_252 = tpu.memref_slice %arg5[%mul3A_4, %dma_wait3A_250, %dma_wait3A_251] : memref<1024x200x64xf32, #tpu.memory_space<hbm>> -> memref<1x200x64xf32, #tpu.memory_space<hbm>>
        %dma_wait3A_253 = tpu.memref_squeeze %dma_wait3A_252 : memref<1x200x64xf32, #tpu.memory_space<hbm>> -> memref<200x64xf32, #tpu.memory_space<hbm>>
        tpu.wait_dma2 semaphore(%arg17 : memref<!tpu.dma_semaphore, #tpu.memory_space<semaphore_mem>>) src(%arg9 : memref<200x64xf32, #tpu.memory_space<vmem>>) dst(%dma_wait3A_253 : memref<200x64xf32, #tpu.memory_space<hbm>>)
      } else {
      }
      %lt3A_202 = arith.constant 32 : i32
      %lt3A_203 = arith.cmpi slt, %add3A_193, %lt3A_202 : i32
      %convert_element_type3A_204 = arith.extui %lt3A_203 : i1 to i32
      %cond3A_205 = arith.constant 0 : i32
      %cond3A_206 = arith.cmpi ne, %convert_element_type3A_204, %cond3A_205 : i32
      scf.if %cond3A_206 {
        %mul3A_246 = arith.constant 200 : i32
        %mul3A_247 = arith.muli %add3A_193, %mul3A_246 : i32
        %multiple_of3A_248 = tpu.assume_multiple %mul3A_247, 8 : i32
        %mul3A_249 = arith.constant 200 : i32
        %mul3A_250 = arith.muli %add3A_193, %mul3A_249 : i32
        %add3A_251 = arith.constant 104 : i32
        %add3A_252 = arith.addi %mul3A_250, %add3A_251 : i32
        %multiple_of3A_253 = tpu.assume_multiple %add3A_252, 8 : i32
        %dma_start3A_254 = arith.constant 0 : i32
        %dma_start3A_255 = arith.constant 0 : i32
        %dma_start3A_256 = tpu.memref_slice %arg9[%dma_start3A_254, %dma_start3A_255] : memref<200x64xf32, #tpu.memory_space<vmem>> -> memref<104x64xf32, #tpu.memory_space<vmem>>
        %dma_start3A_257 = tpu.memref_slice %arg6[%multiple_of3A_248] : memref<6400xi32, #tpu.memory_space<vmem>> -> memref<104xi32, #tpu.memory_space<vmem>>
        %dma_start3A_258 = arith.constant 0 : i32
        %dma_start3A_259 = arith.constant 0 : i32
        %dma_start3A_260 = tpu.memref_slice %arg3[%dma_start3A_258, %dma_start3A_259] : memref<1000000x64xf32, #tpu.memory_space<hbm>> -> memref<1000000x64xf32, #tpu.memory_space<hbm>>
        tpu.enqueue_indirect_dma source(%dma_start3A_260 : memref<1000000x64xf32, #tpu.memory_space<hbm>>) target(%dma_start3A_256 : memref<104x64xf32, #tpu.memory_space<vmem>>) offsets(%dma_start3A_257 : memref<104xi32, #tpu.memory_space<vmem>>) semaphore(%arg13 : memref<!tpu.dma_semaphore, #tpu.memory_space<semaphore_mem>>)
        %dma_start3A_261 = arith.constant 104 : i32
        %dma_start3A_262 = arith.constant 0 : i32
        %dma_start3A_263 = tpu.memref_slice %arg9[%dma_start3A_261, %dma_start3A_262] : memref<200x64xf32, #tpu.memory_space<vmem>> -> memref<96x64xf32, #tpu.memory_space<vmem>>
        %dma_start3A_264 = tpu.memref_slice %arg6[%multiple_of3A_253] : memref<6400xi32, #tpu.memory_space<vmem>> -> memref<96xi32, #tpu.memory_space<vmem>>
        %dma_start3A_265 = arith.constant 0 : i32
        %dma_start3A_266 = arith.constant 0 : i32
        %dma_start3A_267 = tpu.memref_slice %arg3[%dma_start3A_265, %dma_start3A_266] : memref<1000000x64xf32, #tpu.memory_space<hbm>> -> memref<1000000x64xf32, #tpu.memory_space<hbm>>
        tpu.enqueue_indirect_dma source(%dma_start3A_267 : memref<1000000x64xf32, #tpu.memory_space<hbm>>) target(%dma_start3A_263 : memref<96x64xf32, #tpu.memory_space<vmem>>) offsets(%dma_start3A_264 : memref<96xi32, #tpu.memory_space<vmem>>) semaphore(%arg13 : memref<!tpu.dma_semaphore, #tpu.memory_space<semaphore_mem>>)
      } else {
      }
      %mul3A_207 = arith.constant 4 : i32
      %mul3A_208 = arith.muli %mul3A_207, %scan3A_94 : i32
      %add3A_209 = arith.constant 3 : i32
      %add3A_210 = arith.addi %mul3A_208, %add3A_209 : i32
      %dma_wait3A_211 = arith.constant 0 : i32
      %dma_wait3A_212 = tpu.memref_slice %arg6[%dma_wait3A_211] : memref<6400xi32, #tpu.memory_space<vmem>> -> memref<200xi32, #tpu.memory_space<vmem>>
      %dma_wait3A_213 = arith.constant 0 : i32
      %dma_wait3A_214 = arith.constant 0 : i32
      %dma_wait3A_215 = tpu.memref_slice %arg3[%dma_wait3A_213, %dma_wait3A_214] : memref<1000000x64xf32, #tpu.memory_space<hbm>> -> memref<1000000x64xf32, #tpu.memory_space<hbm>>
      tpu.wait_indirect_dma semaphore(%arg15 : memref<!tpu.dma_semaphore, #tpu.memory_space<semaphore_mem>>) src(%dma_wait3A_215 : memref<1000000x64xf32, #tpu.memory_space<hbm>>) dst(%arg11 : memref<200x64xf32, #tpu.memory_space<vmem>>)
      %scan3A_216 = arith.constant 0 : i32
      %scan3A_217 = arith.constant 0 : i32
      %scan3A_218 = arith.constant 200 : i32
      %scan3A_219 = arith.addi %scan3A_217, %scan3A_218 : i32
      %scan3A_220 = arith.constant 4 : i32
      scf.for %scan3A_246 = %scan3A_217 to %scan3A_219 step %scan3A_220  : i32 {
        %get3A = arith.index_cast %scan3A_246 : i32 to index
        %get3A_247 = arith.constant 0 : index
        %get3A_248 = tpu.vector_load %arg11[%get3A, %get3A_247] {strides = array<i32>} : memref<200x64xf32, #tpu.memory_space<vmem>>, vector<1x16xf32>,
        %get3A_249 = vector.shape_cast %get3A_248 : vector<1x16xf32> to vector<16xf32>
        %get3A_250 = arith.index_cast %scan3A_246 : i32 to index
        %get3A_251 = arith.constant 0 : index
        %get3A_252 = tpu.vector_load %arg7[%get3A_250, %get3A_251] {strides = array<i32>} : memref<200x64xf32, #tpu.memory_space<vmem>>, vector<1x16xf32>,
        %get3A_253 = vector.shape_cast %get3A_252 : vector<1x16xf32> to vector<16xf32>
        %add3A_254 = arith.addf %get3A_249, %get3A_253 : vector<16xf32>
        %swap3A = arith.index_cast %scan3A_246 : i32 to index
        %swap3A_255 = arith.constant 0 : index
        %swap3A_256 = tpu.vector_load %arg11[%swap3A, %swap3A_255] {strides = array<i32>} : memref<200x64xf32, #tpu.memory_space<vmem>>, vector<1x16xf32>,
        %swap3A_257 = vector.shape_cast %swap3A_256 : vector<1x16xf32> to vector<16xf32>
        %swap3A_258 = vector.shape_cast %add3A_254 : vector<16xf32> to vector<1x16xf32>
        tpu.vector_store %arg11[%swap3A, %swap3A_255], %swap3A_258 {strides = array<i32>} : memref<200x64xf32, #tpu.memory_space<vmem>>, vector<1x16xf32>,
        %get3A_259 = arith.index_cast %scan3A_246 : i32 to index
        %get3A_260 = arith.constant 16 : index
        %get3A_261 = tpu.vector_load %arg11[%get3A_259, %get3A_260] {strides = array<i32>} : memref<200x64xf32, #tpu.memory_space<vmem>>, vector<1x16xf32>,
        %get3A_262 = vector.shape_cast %get3A_261 : vector<1x16xf32> to vector<16xf32>
        %get3A_263 = arith.index_cast %scan3A_246 : i32 to index
        %get3A_264 = arith.constant 16 : index
        %get3A_265 = tpu.vector_load %arg7[%get3A_263, %get3A_264] {strides = array<i32>} : memref<200x64xf32, #tpu.memory_space<vmem>>, vector<1x16xf32>,
        %get3A_266 = vector.shape_cast %get3A_265 : vector<1x16xf32> to vector<16xf32>
        %add3A_267 = arith.addf %get3A_262, %get3A_266 : vector<16xf32>
        %swap3A_268 = arith.index_cast %scan3A_246 : i32 to index
        %swap3A_269 = arith.constant 16 : index
        %swap3A_270 = tpu.vector_load %arg11[%swap3A_268, %swap3A_269] {strides = array<i32>} : memref<200x64xf32, #tpu.memory_space<vmem>>, vector<1x16xf32>,
        %swap3A_271 = vector.shape_cast %swap3A_270 : vector<1x16xf32> to vector<16xf32>
        %swap3A_272 = vector.shape_cast %add3A_267 : vector<16xf32> to vector<1x16xf32>
        tpu.vector_store %arg11[%swap3A_268, %swap3A_269], %swap3A_272 {strides = array<i32>} : memref<200x64xf32, #tpu.memory_space<vmem>>, vector<1x16xf32>,
        %get3A_273 = arith.index_cast %scan3A_246 : i32 to index
        %get3A_274 = arith.constant 32 : index
        %get3A_275 = tpu.vector_load %arg11[%get3A_273, %get3A_274] {strides = array<i32>} : memref<200x64xf32, #tpu.memory_space<vmem>>, vector<1x16xf32>,
        %get3A_276 = vector.shape_cast %get3A_275 : vector<1x16xf32> to vector<16xf32>
        %get3A_277 = arith.index_cast %scan3A_246 : i32 to index
        %get3A_278 = arith.constant 32 : index
        %get3A_279 = tpu.vector_load %arg7[%get3A_277, %get3A_278] {strides = array<i32>} : memref<200x64xf32, #tpu.memory_space<vmem>>, vector<1x16xf32>,
        %get3A_280 = vector.shape_cast %get3A_279 : vector<1x16xf32> to vector<16xf32>
        %add3A_281 = arith.addf %get3A_276, %get3A_280 : vector<16xf32>
        %swap3A_282 = arith.index_cast %scan3A_246 : i32 to index
        %swap3A_283 = arith.constant 32 : index
        %swap3A_284 = tpu.vector_load %arg11[%swap3A_282, %swap3A_283] {strides = array<i32>} : memref<200x64xf32, #tpu.memory_space<vmem>>, vector<1x16xf32>,
        %swap3A_285 = vector.shape_cast %swap3A_284 : vector<1x16xf32> to vector<16xf32>
        %swap3A_286 = vector.shape_cast %add3A_281 : vector<16xf32> to vector<1x16xf32>
        tpu.vector_store %arg11[%swap3A_282, %swap3A_283], %swap3A_286 {strides = array<i32>} : memref<200x64xf32, #tpu.memory_space<vmem>>, vector<1x16xf32>,
        %get3A_287 = arith.index_cast %scan3A_246 : i32 to index
        %get3A_288 = arith.constant 48 : index
        %get3A_289 = tpu.vector_load %arg11[%get3A_287, %get3A_288] {strides = array<i32>} : memref<200x64xf32, #tpu.memory_space<vmem>>, vector<1x16xf32>,
        %get3A_290 = vector.shape_cast %get3A_289 : vector<1x16xf32> to vector<16xf32>
        %get3A_291 = arith.index_cast %scan3A_246 : i32 to index
        %get3A_292 = arith.constant 48 : index
        %get3A_293 = tpu.vector_load %arg7[%get3A_291, %get3A_292] {strides = array<i32>} : memref<200x64xf32, #tpu.memory_space<vmem>>, vector<1x16xf32>,
        %get3A_294 = vector.shape_cast %get3A_293 : vector<1x16xf32> to vector<16xf32>
        %add3A_295 = arith.addf %get3A_290, %get3A_294 : vector<16xf32>
        %swap3A_296 = arith.index_cast %scan3A_246 : i32 to index
        %swap3A_297 = arith.constant 48 : index
        %swap3A_298 = tpu.vector_load %arg11[%swap3A_296, %swap3A_297] {strides = array<i32>} : memref<200x64xf32, #tpu.memory_space<vmem>>, vector<1x16xf32>,
        %swap3A_299 = vector.shape_cast %swap3A_298 : vector<1x16xf32> to vector<16xf32>
        %swap3A_300 = vector.shape_cast %add3A_295 : vector<16xf32> to vector<1x16xf32>
        tpu.vector_store %arg11[%swap3A_296, %swap3A_297], %swap3A_300 {strides = array<i32>} : memref<200x64xf32, #tpu.memory_space<vmem>>, vector<1x16xf32>,
        %scan3A_301 = arith.constant 1 : i32
        %scan3A_302 = arith.addi %scan3A_246, %scan3A_301 : i32
        %get3A_303 = arith.index_cast %scan3A_302 : i32 to index
        %get3A_304 = arith.constant 0 : index
        %get3A_305 = tpu.vector_load %arg11[%get3A_303, %get3A_304] {strides = array<i32>} : memref<200x64xf32, #tpu.memory_space<vmem>>, vector<1x16xf32>,
        %get3A_306 = vector.shape_cast %get3A_305 : vector<1x16xf32> to vector<16xf32>
        %get3A_307 = arith.index_cast %scan3A_302 : i32 to index
        %get3A_308 = arith.constant 0 : index
        %get3A_309 = tpu.vector_load %arg7[%get3A_307, %get3A_308] {strides = array<i32>} : memref<200x64xf32, #tpu.memory_space<vmem>>, vector<1x16xf32>,
        %get3A_310 = vector.shape_cast %get3A_309 : vector<1x16xf32> to vector<16xf32>
        %add3A_311 = arith.addf %get3A_306, %get3A_310 : vector<16xf32>
        %swap3A_312 = arith.index_cast %scan3A_302 : i32 to index
        %swap3A_313 = arith.constant 0 : index
        %swap3A_314 = tpu.vector_load %arg11[%swap3A_312, %swap3A_313] {strides = array<i32>} : memref<200x64xf32, #tpu.memory_space<vmem>>, vector<1x16xf32>,
        %swap3A_315 = vector.shape_cast %swap3A_314 : vector<1x16xf32> to vector<16xf32>
        %swap3A_316 = vector.shape_cast %add3A_311 : vector<16xf32> to vector<1x16xf32>
        tpu.vector_store %arg11[%swap3A_312, %swap3A_313], %swap3A_316 {strides = array<i32>} : memref<200x64xf32, #tpu.memory_space<vmem>>, vector<1x16xf32>,
        %get3A_317 = arith.index_cast %scan3A_302 : i32 to index
        %get3A_318 = arith.constant 16 : index
        %get3A_319 = tpu.vector_load %arg11[%get3A_317, %get3A_318] {strides = array<i32>} : memref<200x64xf32, #tpu.memory_space<vmem>>, vector<1x16xf32>,
        %get3A_320 = vector.shape_cast %get3A_319 : vector<1x16xf32> to vector<16xf32>
        %get3A_321 = arith.index_cast %scan3A_302 : i32 to index
        %get3A_322 = arith.constant 16 : index
        %get3A_323 = tpu.vector_load %arg7[%get3A_321, %get3A_322] {strides = array<i32>} : memref<200x64xf32, #tpu.memory_space<vmem>>, vector<1x16xf32>,
        %get3A_324 = vector.shape_cast %get3A_323 : vector<1x16xf32> to vector<16xf32>
        %add3A_325 = arith.addf %get3A_320, %get3A_324 : vector<16xf32>
        %swap3A_326 = arith.index_cast %scan3A_302 : i32 to index
        %swap3A_327 = arith.constant 16 : index
        %swap3A_328 = tpu.vector_load %arg11[%swap3A_326, %swap3A_327] {strides = array<i32>} : memref<200x64xf32, #tpu.memory_space<vmem>>, vector<1x16xf32>,
        %swap3A_329 = vector.shape_cast %swap3A_328 : vector<1x16xf32> to vector<16xf32>
        %swap3A_330 = vector.shape_cast %add3A_325 : vector<16xf32> to vector<1x16xf32>
        tpu.vector_store %arg11[%swap3A_326, %swap3A_327], %swap3A_330 {strides = array<i32>} : memref<200x64xf32, #tpu.memory_space<vmem>>, vector<1x16xf32>,
        %get3A_331 = arith.index_cast %scan3A_302 : i32 to index
        %get3A_332 = arith.constant 32 : index
        %get3A_333 = tpu.vector_load %arg11[%get3A_331, %get3A_332] {strides = array<i32>} : memref<200x64xf32, #tpu.memory_space<vmem>>, vector<1x16xf32>,
        %get3A_334 = vector.shape_cast %get3A_333 : vector<1x16xf32> to vector<16xf32>
        %get3A_335 = arith.index_cast %scan3A_302 : i32 to index
        %get3A_336 = arith.constant 32 : index
        %get3A_337 = tpu.vector_load %arg7[%get3A_335, %get3A_336] {strides = array<i32>} : memref<200x64xf32, #tpu.memory_space<vmem>>, vector<1x16xf32>,
        %get3A_338 = vector.shape_cast %get3A_337 : vector<1x16xf32> to vector<16xf32>
        %add3A_339 = arith.addf %get3A_334, %get3A_338 : vector<16xf32>
        %swap3A_340 = arith.index_cast %scan3A_302 : i32 to index
        %swap3A_341 = arith.constant 32 : index
        %swap3A_342 = tpu.vector_load %arg11[%swap3A_340, %swap3A_341] {strides = array<i32>} : memref<200x64xf32, #tpu.memory_space<vmem>>, vector<1x16xf32>,
        %swap3A_343 = vector.shape_cast %swap3A_342 : vector<1x16xf32> to vector<16xf32>
        %swap3A_344 = vector.shape_cast %add3A_339 : vector<16xf32> to vector<1x16xf32>
        tpu.vector_store %arg11[%swap3A_340, %swap3A_341], %swap3A_344 {strides = array<i32>} : memref<200x64xf32, #tpu.memory_space<vmem>>, vector<1x16xf32>,
        %get3A_345 = arith.index_cast %scan3A_302 : i32 to index
        %get3A_346 = arith.constant 48 : index
        %get3A_347 = tpu.vector_load %arg11[%get3A_345, %get3A_346] {strides = array<i32>} : memref<200x64xf32, #tpu.memory_space<vmem>>, vector<1x16xf32>,
        %get3A_348 = vector.shape_cast %get3A_347 : vector<1x16xf32> to vector<16xf32>
        %get3A_349 = arith.index_cast %scan3A_302 : i32 to index
        %get3A_350 = arith.constant 48 : index
        %get3A_351 = tpu.vector_load %arg7[%get3A_349, %get3A_350] {strides = array<i32>} : memref<200x64xf32, #tpu.memory_space<vmem>>, vector<1x16xf32>,
        %get3A_352 = vector.shape_cast %get3A_351 : vector<1x16xf32> to vector<16xf32>
        %add3A_353 = arith.addf %get3A_348, %get3A_352 : vector<16xf32>
        %swap3A_354 = arith.index_cast %scan3A_302 : i32 to index
        %swap3A_355 = arith.constant 48 : index
        %swap3A_356 = tpu.vector_load %arg11[%swap3A_354, %swap3A_355] {strides = array<i32>} : memref<200x64xf32, #tpu.memory_space<vmem>>, vector<1x16xf32>,
        %swap3A_357 = vector.shape_cast %swap3A_356 : vector<1x16xf32> to vector<16xf32>
        %swap3A_358 = vector.shape_cast %add3A_353 : vector<16xf32> to vector<1x16xf32>
        tpu.vector_store %arg11[%swap3A_354, %swap3A_355], %swap3A_358 {strides = array<i32>} : memref<200x64xf32, #tpu.memory_space<vmem>>, vector<1x16xf32>,
        %scan3A_359 = arith.constant 2 : i32
        %scan3A_360 = arith.addi %scan3A_246, %scan3A_359 : i32
        %get3A_361 = arith.index_cast %scan3A_360 : i32 to index
        %get3A_362 = arith.constant 0 : index
        %get3A_363 = tpu.vector_load %arg11[%get3A_361, %get3A_362] {strides = array<i32>} : memref<200x64xf32, #tpu.memory_space<vmem>>, vector<1x16xf32>,
        %get3A_364 = vector.shape_cast %get3A_363 : vector<1x16xf32> to vector<16xf32>
        %get3A_365 = arith.index_cast %scan3A_360 : i32 to index
        %get3A_366 = arith.constant 0 : index
        %get3A_367 = tpu.vector_load %arg7[%get3A_365, %get3A_366] {strides = array<i32>} : memref<200x64xf32, #tpu.memory_space<vmem>>, vector<1x16xf32>,
        %get3A_368 = vector.shape_cast %get3A_367 : vector<1x16xf32> to vector<16xf32>
        %add3A_369 = arith.addf %get3A_364, %get3A_368 : vector<16xf32>
        %swap3A_370 = arith.index_cast %scan3A_360 : i32 to index
        %swap3A_371 = arith.constant 0 : index
        %swap3A_372 = tpu.vector_load %arg11[%swap3A_370, %swap3A_371] {strides = array<i32>} : memref<200x64xf32, #tpu.memory_space<vmem>>, vector<1x16xf32>,
        %swap3A_373 = vector.shape_cast %swap3A_372 : vector<1x16xf32> to vector<16xf32>
        %swap3A_374 = vector.shape_cast %add3A_369 : vector<16xf32> to vector<1x16xf32>
        tpu.vector_store %arg11[%swap3A_370, %swap3A_371], %swap3A_374 {strides = array<i32>} : memref<200x64xf32, #tpu.memory_space<vmem>>, vector<1x16xf32>,
        %get3A_375 = arith.index_cast %scan3A_360 : i32 to index
        %get3A_376 = arith.constant 16 : index
        %get3A_377 = tpu.vector_load %arg11[%get3A_375, %get3A_376] {strides = array<i32>} : memref<200x64xf32, #tpu.memory_space<vmem>>, vector<1x16xf32>,
        %get3A_378 = vector.shape_cast %get3A_377 : vector<1x16xf32> to vector<16xf32>
        %get3A_379 = arith.index_cast %scan3A_360 : i32 to index
        %get3A_380 = arith.constant 16 : index
        %get3A_381 = tpu.vector_load %arg7[%get3A_379, %get3A_380] {strides = array<i32>} : memref<200x64xf32, #tpu.memory_space<vmem>>, vector<1x16xf32>,
        %get3A_382 = vector.shape_cast %get3A_381 : vector<1x16xf32> to vector<16xf32>
        %add3A_383 = arith.addf %get3A_378, %get3A_382 : vector<16xf32>
        %swap3A_384 = arith.index_cast %scan3A_360 : i32 to index
        %swap3A_385 = arith.constant 16 : index
        %swap3A_386 = tpu.vector_load %arg11[%swap3A_384, %swap3A_385] {strides = array<i32>} : memref<200x64xf32, #tpu.memory_space<vmem>>, vector<1x16xf32>,
        %swap3A_387 = vector.shape_cast %swap3A_386 : vector<1x16xf32> to vector<16xf32>
        %swap3A_388 = vector.shape_cast %add3A_383 : vector<16xf32> to vector<1x16xf32>
        tpu.vector_store %arg11[%swap3A_384, %swap3A_385], %swap3A_388 {strides = array<i32>} : memref<200x64xf32, #tpu.memory_space<vmem>>, vector<1x16xf32>,
        %get3A_389 = arith.index_cast %scan3A_360 : i32 to index
        %get3A_390 = arith.constant 32 : index
        %get3A_391 = tpu.vector_load %arg11[%get3A_389, %get3A_390] {strides = array<i32>} : memref<200x64xf32, #tpu.memory_space<vmem>>, vector<1x16xf32>,
        %get3A_392 = vector.shape_cast %get3A_391 : vector<1x16xf32> to vector<16xf32>
        %get3A_393 = arith.index_cast %scan3A_360 : i32 to index
        %get3A_394 = arith.constant 32 : index
        %get3A_395 = tpu.vector_load %arg7[%get3A_393, %get3A_394] {strides = array<i32>} : memref<200x64xf32, #tpu.memory_space<vmem>>, vector<1x16xf32>,
        %get3A_396 = vector.shape_cast %get3A_395 : vector<1x16xf32> to vector<16xf32>
        %add3A_397 = arith.addf %get3A_392, %get3A_396 : vector<16xf32>
        %swap3A_398 = arith.index_cast %scan3A_360 : i32 to index
        %swap3A_399 = arith.constant 32 : index
        %swap3A_400 = tpu.vector_load %arg11[%swap3A_398, %swap3A_399] {strides = array<i32>} : memref<200x64xf32, #tpu.memory_space<vmem>>, vector<1x16xf32>,
        %swap3A_401 = vector.shape_cast %swap3A_400 : vector<1x16xf32> to vector<16xf32>
        %swap3A_402 = vector.shape_cast %add3A_397 : vector<16xf32> to vector<1x16xf32>
        tpu.vector_store %arg11[%swap3A_398, %swap3A_399], %swap3A_402 {strides = array<i32>} : memref<200x64xf32, #tpu.memory_space<vmem>>, vector<1x16xf32>,
        %get3A_403 = arith.index_cast %scan3A_360 : i32 to index
        %get3A_404 = arith.constant 48 : index
        %get3A_405 = tpu.vector_load %arg11[%get3A_403, %get3A_404] {strides = array<i32>} : memref<200x64xf32, #tpu.memory_space<vmem>>, vector<1x16xf32>,
        %get3A_406 = vector.shape_cast %get3A_405 : vector<1x16xf32> to vector<16xf32>
        %get3A_407 = arith.index_cast %scan3A_360 : i32 to index
        %get3A_408 = arith.constant 48 : index
        %get3A_409 = tpu.vector_load %arg7[%get3A_407, %get3A_408] {strides = array<i32>} : memref<200x64xf32, #tpu.memory_space<vmem>>, vector<1x16xf32>,
        %get3A_410 = vector.shape_cast %get3A_409 : vector<1x16xf32> to vector<16xf32>
        %add3A_411 = arith.addf %get3A_406, %get3A_410 : vector<16xf32>
        %swap3A_412 = arith.index_cast %scan3A_360 : i32 to index
        %swap3A_413 = arith.constant 48 : index
        %swap3A_414 = tpu.vector_load %arg11[%swap3A_412, %swap3A_413] {strides = array<i32>} : memref<200x64xf32, #tpu.memory_space<vmem>>, vector<1x16xf32>,
        %swap3A_415 = vector.shape_cast %swap3A_414 : vector<1x16xf32> to vector<16xf32>
        %swap3A_416 = vector.shape_cast %add3A_411 : vector<16xf32> to vector<1x16xf32>
        tpu.vector_store %arg11[%swap3A_412, %swap3A_413], %swap3A_416 {strides = array<i32>} : memref<200x64xf32, #tpu.memory_space<vmem>>, vector<1x16xf32>,
        %scan3A_417 = arith.constant 3 : i32
        %scan3A_418 = arith.addi %scan3A_246, %scan3A_417 : i32
        %get3A_419 = arith.index_cast %scan3A_418 : i32 to index
        %get3A_420 = arith.constant 0 : index
        %get3A_421 = tpu.vector_load %arg11[%get3A_419, %get3A_420] {strides = array<i32>} : memref<200x64xf32, #tpu.memory_space<vmem>>, vector<1x16xf32>,
        %get3A_422 = vector.shape_cast %get3A_421 : vector<1x16xf32> to vector<16xf32>
        %get3A_423 = arith.index_cast %scan3A_418 : i32 to index
        %get3A_424 = arith.constant 0 : index
        %get3A_425 = tpu.vector_load %arg7[%get3A_423, %get3A_424] {strides = array<i32>} : memref<200x64xf32, #tpu.memory_space<vmem>>, vector<1x16xf32>,
        %get3A_426 = vector.shape_cast %get3A_425 : vector<1x16xf32> to vector<16xf32>
        %add3A_427 = arith.addf %get3A_422, %get3A_426 : vector<16xf32>
        %swap3A_428 = arith.index_cast %scan3A_418 : i32 to index
        %swap3A_429 = arith.constant 0 : index
        %swap3A_430 = tpu.vector_load %arg11[%swap3A_428, %swap3A_429] {strides = array<i32>} : memref<200x64xf32, #tpu.memory_space<vmem>>, vector<1x16xf32>,
        %swap3A_431 = vector.shape_cast %swap3A_430 : vector<1x16xf32> to vector<16xf32>
        %swap3A_432 = vector.shape_cast %add3A_427 : vector<16xf32> to vector<1x16xf32>
        tpu.vector_store %arg11[%swap3A_428, %swap3A_429], %swap3A_432 {strides = array<i32>} : memref<200x64xf32, #tpu.memory_space<vmem>>, vector<1x16xf32>,
        %get3A_433 = arith.index_cast %scan3A_418 : i32 to index
        %get3A_434 = arith.constant 16 : index
        %get3A_435 = tpu.vector_load %arg11[%get3A_433, %get3A_434] {strides = array<i32>} : memref<200x64xf32, #tpu.memory_space<vmem>>, vector<1x16xf32>,
        %get3A_436 = vector.shape_cast %get3A_435 : vector<1x16xf32> to vector<16xf32>
        %get3A_437 = arith.index_cast %scan3A_418 : i32 to index
        %get3A_438 = arith.constant 16 : index
        %get3A_439 = tpu.vector_load %arg7[%get3A_437, %get3A_438] {strides = array<i32>} : memref<200x64xf32, #tpu.memory_space<vmem>>, vector<1x16xf32>,
        %get3A_440 = vector.shape_cast %get3A_439 : vector<1x16xf32> to vector<16xf32>
        %add3A_441 = arith.addf %get3A_436, %get3A_440 : vector<16xf32>
        %swap3A_442 = arith.index_cast %scan3A_418 : i32 to index
        %swap3A_443 = arith.constant 16 : index
        %swap3A_444 = tpu.vector_load %arg11[%swap3A_442, %swap3A_443] {strides = array<i32>} : memref<200x64xf32, #tpu.memory_space<vmem>>, vector<1x16xf32>,
        %swap3A_445 = vector.shape_cast %swap3A_444 : vector<1x16xf32> to vector<16xf32>
        %swap3A_446 = vector.shape_cast %add3A_441 : vector<16xf32> to vector<1x16xf32>
        tpu.vector_store %arg11[%swap3A_442, %swap3A_443], %swap3A_446 {strides = array<i32>} : memref<200x64xf32, #tpu.memory_space<vmem>>, vector<1x16xf32>,
        %get3A_447 = arith.index_cast %scan3A_418 : i32 to index
        %get3A_448 = arith.constant 32 : index
        %get3A_449 = tpu.vector_load %arg11[%get3A_447, %get3A_448] {strides = array<i32>} : memref<200x64xf32, #tpu.memory_space<vmem>>, vector<1x16xf32>,
        %get3A_450 = vector.shape_cast %get3A_449 : vector<1x16xf32> to vector<16xf32>
        %get3A_451 = arith.index_cast %scan3A_418 : i32 to index
        %get3A_452 = arith.constant 32 : index
        %get3A_453 = tpu.vector_load %arg7[%get3A_451, %get3A_452] {strides = array<i32>} : memref<200x64xf32, #tpu.memory_space<vmem>>, vector<1x16xf32>,
        %get3A_454 = vector.shape_cast %get3A_453 : vector<1x16xf32> to vector<16xf32>
        %add3A_455 = arith.addf %get3A_450, %get3A_454 : vector<16xf32>
        %swap3A_456 = arith.index_cast %scan3A_418 : i32 to index
        %swap3A_457 = arith.constant 32 : index
        %swap3A_458 = tpu.vector_load %arg11[%swap3A_456, %swap3A_457] {strides = array<i32>} : memref<200x64xf32, #tpu.memory_space<vmem>>, vector<1x16xf32>,
        %swap3A_459 = vector.shape_cast %swap3A_458 : vector<1x16xf32> to vector<16xf32>
        %swap3A_460 = vector.shape_cast %add3A_455 : vector<16xf32> to vector<1x16xf32>
        tpu.vector_store %arg11[%swap3A_456, %swap3A_457], %swap3A_460 {strides = array<i32>} : memref<200x64xf32, #tpu.memory_space<vmem>>, vector<1x16xf32>,
        %get3A_461 = arith.index_cast %scan3A_418 : i32 to index
        %get3A_462 = arith.constant 48 : index
        %get3A_463 = tpu.vector_load %arg11[%get3A_461, %get3A_462] {strides = array<i32>} : memref<200x64xf32, #tpu.memory_space<vmem>>, vector<1x16xf32>,
        %get3A_464 = vector.shape_cast %get3A_463 : vector<1x16xf32> to vector<16xf32>
        %get3A_465 = arith.index_cast %scan3A_418 : i32 to index
        %get3A_466 = arith.constant 48 : index
        %get3A_467 = tpu.vector_load %arg7[%get3A_465, %get3A_466] {strides = array<i32>} : memref<200x64xf32, #tpu.memory_space<vmem>>, vector<1x16xf32>,
        %get3A_468 = vector.shape_cast %get3A_467 : vector<1x16xf32> to vector<16xf32>
        %add3A_469 = arith.addf %get3A_464, %get3A_468 : vector<16xf32>
        %swap3A_470 = arith.index_cast %scan3A_418 : i32 to index
        %swap3A_471 = arith.constant 48 : index
        %swap3A_472 = tpu.vector_load %arg11[%swap3A_470, %swap3A_471] {strides = array<i32>} : memref<200x64xf32, #tpu.memory_space<vmem>>, vector<1x16xf32>,
        %swap3A_473 = vector.shape_cast %swap3A_472 : vector<1x16xf32> to vector<16xf32>
        %swap3A_474 = vector.shape_cast %add3A_469 : vector<16xf32> to vector<1x16xf32>
        tpu.vector_store %arg11[%swap3A_470, %swap3A_471], %swap3A_474 {strides = array<i32>} : memref<200x64xf32, #tpu.memory_space<vmem>>, vector<1x16xf32>,
      }
      %scan3A_221 = arith.constant 200 : i32
      %add3A_222 = arith.addi %mul3A_4, %add3A_210 : i32
      %dma_start3A_223 = arith.constant 0 : i32
      %dma_start3A_224 = arith.constant 0 : i32
      %dma_start3A_225 = tpu.memref_slice %arg5[%add3A_222, %dma_start3A_223, %dma_start3A_224] : memref<1024x200x64xf32, #tpu.memory_space<hbm>> -> memref<1x200x64xf32, #tpu.memory_space<hbm>>
      %dma_start3A_226 = tpu.memref_squeeze %dma_start3A_225 : memref<1x200x64xf32, #tpu.memory_space<hbm>> -> memref<200x64xf32, #tpu.memory_space<hbm>>
      %dma_start3A_227 = arith.constant 0 : i32
      %dma_start3A_228 = arith.constant 0 : i32
      %dma_start3A_229 = tpu.memref_slice %arg5[%add3A_222, %dma_start3A_227, %dma_start3A_228] : memref<1024x200x64xf32, #tpu.memory_space<hbm>> -> memref<1x200x64xf32, #tpu.memory_space<hbm>>
      %dma_start3A_230 = tpu.memref_squeeze %dma_start3A_229 : memref<1x200x64xf32, #tpu.memory_space<hbm>> -> memref<200x64xf32, #tpu.memory_space<hbm>>
      tpu.enqueue_dma source(%arg11 : memref<200x64xf32, #tpu.memory_space<vmem>>) target(%dma_start3A_230 : memref<200x64xf32, #tpu.memory_space<hbm>>) target_semaphore(%arg19 : memref<!tpu.dma_semaphore, #tpu.memory_space<semaphore_mem>>)
      %add3A_231 = arith.constant 3 : i32
      %add3A_232 = arith.addi %add3A_210, %add3A_231 : i32
      %ge3A_233 = arith.constant 1 : i32
      %ge3A_234 = arith.cmpi sge, %add3A_210, %ge3A_233 : i32
      %lt3A_235 = arith.constant 32 : i32
      %lt3A_236 = arith.cmpi slt, %add3A_232, %lt3A_235 : i32
      %and3A_237 = arith.andi %ge3A_234, %lt3A_236 : i1
      %convert_element_type3A_238 = arith.extui %and3A_237 : i1 to i32
      %cond3A_239 = arith.constant 0 : i32
      %cond3A_240 = arith.cmpi ne, %convert_element_type3A_238, %cond3A_239 : i32
      scf.if %cond3A_240 {
        %dma_wait3A_246 = arith.constant 0 : i32
        %dma_wait3A_247 = arith.constant 0 : i32
        %dma_wait3A_248 = tpu.memref_slice %arg5[%mul3A_4, %dma_wait3A_246, %dma_wait3A_247] : memref<1024x200x64xf32, #tpu.memory_space<hbm>> -> memref<1x200x64xf32, #tpu.memory_space<hbm>>
        %dma_wait3A_249 = tpu.memref_squeeze %dma_wait3A_248 : memref<1x200x64xf32, #tpu.memory_space<hbm>> -> memref<200x64xf32, #tpu.memory_space<hbm>>
        %dma_wait3A_250 = arith.constant 0 : i32
        %dma_wait3A_251 = arith.constant 0 : i32
        %dma_wait3A_252 = tpu.memref_slice %arg5[%mul3A_4, %dma_wait3A_250, %dma_wait3A_251] : memref<1024x200x64xf32, #tpu.memory_space<hbm>> -> memref<1x200x64xf32, #tpu.memory_space<hbm>>
        %dma_wait3A_253 = tpu.memref_squeeze %dma_wait3A_252 : memref<1x200x64xf32, #tpu.memory_space<hbm>> -> memref<200x64xf32, #tpu.memory_space<hbm>>
        tpu.wait_dma2 semaphore(%arg18 : memref<!tpu.dma_semaphore, #tpu.memory_space<semaphore_mem>>) src(%arg10 : memref<200x64xf32, #tpu.memory_space<vmem>>) dst(%dma_wait3A_253 : memref<200x64xf32, #tpu.memory_space<hbm>>)
      } else {
      }
      %lt3A_241 = arith.constant 32 : i32
      %lt3A_242 = arith.cmpi slt, %add3A_232, %lt3A_241 : i32
      %convert_element_type3A_243 = arith.extui %lt3A_242 : i1 to i32
      %cond3A_244 = arith.constant 0 : i32
      %cond3A_245 = arith.cmpi ne, %convert_element_type3A_243, %cond3A_244 : i32
      scf.if %cond3A_245 {
        %mul3A_246 = arith.constant 200 : i32
        %mul3A_247 = arith.muli %add3A_232, %mul3A_246 : i32
        %multiple_of3A_248 = tpu.assume_multiple %mul3A_247, 8 : i32
        %mul3A_249 = arith.constant 200 : i32
        %mul3A_250 = arith.muli %add3A_232, %mul3A_249 : i32
        %add3A_251 = arith.constant 104 : i32
        %add3A_252 = arith.addi %mul3A_250, %add3A_251 : i32
        %multiple_of3A_253 = tpu.assume_multiple %add3A_252, 8 : i32
        %dma_start3A_254 = arith.constant 0 : i32
        %dma_start3A_255 = arith.constant 0 : i32
        %dma_start3A_256 = tpu.memref_slice %arg10[%dma_start3A_254, %dma_start3A_255] : memref<200x64xf32, #tpu.memory_space<vmem>> -> memref<104x64xf32, #tpu.memory_space<vmem>>
        %dma_start3A_257 = tpu.memref_slice %arg6[%multiple_of3A_248] : memref<6400xi32, #tpu.memory_space<vmem>> -> memref<104xi32, #tpu.memory_space<vmem>>
        %dma_start3A_258 = arith.constant 0 : i32
        %dma_start3A_259 = arith.constant 0 : i32
        %dma_start3A_260 = tpu.memref_slice %arg3[%dma_start3A_258, %dma_start3A_259] : memref<1000000x64xf32, #tpu.memory_space<hbm>> -> memref<1000000x64xf32, #tpu.memory_space<hbm>>
        tpu.enqueue_indirect_dma source(%dma_start3A_260 : memref<1000000x64xf32, #tpu.memory_space<hbm>>) target(%dma_start3A_256 : memref<104x64xf32, #tpu.memory_space<vmem>>) offsets(%dma_start3A_257 : memref<104xi32, #tpu.memory_space<vmem>>) semaphore(%arg14 : memref<!tpu.dma_semaphore, #tpu.memory_space<semaphore_mem>>)
        %dma_start3A_261 = arith.constant 104 : i32
        %dma_start3A_262 = arith.constant 0 : i32
        %dma_start3A_263 = tpu.memref_slice %arg10[%dma_start3A_261, %dma_start3A_262] : memref<200x64xf32, #tpu.memory_space<vmem>> -> memref<96x64xf32, #tpu.memory_space<vmem>>
        %dma_start3A_264 = tpu.memref_slice %arg6[%multiple_of3A_253] : memref<6400xi32, #tpu.memory_space<vmem>> -> memref<96xi32, #tpu.memory_space<vmem>>
        %dma_start3A_265 = arith.constant 0 : i32
        %dma_start3A_266 = arith.constant 0 : i32
        %dma_start3A_267 = tpu.memref_slice %arg3[%dma_start3A_265, %dma_start3A_266] : memref<1000000x64xf32, #tpu.memory_space<hbm>> -> memref<1000000x64xf32, #tpu.memory_space<hbm>>
        tpu.enqueue_indirect_dma source(%dma_start3A_267 : memref<1000000x64xf32, #tpu.memory_space<hbm>>) target(%dma_start3A_263 : memref<96x64xf32, #tpu.memory_space<vmem>>) offsets(%dma_start3A_264 : memref<96xi32, #tpu.memory_space<vmem>>) semaphore(%arg14 : memref<!tpu.dma_semaphore, #tpu.memory_space<semaphore_mem>>)
      } else {
      }
    }
    %scan3A_62 = arith.constant 8 : i32
    %dma_wait3A = arith.constant 0 : i32
    %dma_wait3A_63 = arith.constant 0 : i32
    %dma_wait3A_64 = tpu.memref_slice %arg5[%mul3A_4, %dma_wait3A, %dma_wait3A_63] : memref<1024x200x64xf32, #tpu.memory_space<hbm>> -> memref<1x200x64xf32, #tpu.memory_space<hbm>>
    %dma_wait3A_65 = tpu.memref_squeeze %dma_wait3A_64 : memref<1x200x64xf32, #tpu.memory_space<hbm>> -> memref<200x64xf32, #tpu.memory_space<hbm>>
    %dma_wait3A_66 = arith.constant 0 : i32
    %dma_wait3A_67 = arith.constant 0 : i32
    %dma_wait3A_68 = tpu.memref_slice %arg5[%mul3A_4, %dma_wait3A_66, %dma_wait3A_67] : memref<1024x200x64xf32, #tpu.memory_space<hbm>> -> memref<1x200x64xf32, #tpu.memory_space<hbm>>
    %dma_wait3A_69 = tpu.memref_squeeze %dma_wait3A_68 : memref<1x200x64xf32, #tpu.memory_space<hbm>> -> memref<200x64xf32, #tpu.memory_space<hbm>>
    tpu.wait_dma2 semaphore(%arg16 : memref<!tpu.dma_semaphore, #tpu.memory_space<semaphore_mem>>) src(%arg8 : memref<200x64xf32, #tpu.memory_space<vmem>>) dst(%dma_wait3A_69 : memref<200x64xf32, #tpu.memory_space<hbm>>)
    %dma_wait3A_70 = arith.constant 0 : i32
    %dma_wait3A_71 = arith.constant 0 : i32
    %dma_wait3A_72 = tpu.memref_slice %arg5[%mul3A_4, %dma_wait3A_70, %dma_wait3A_71] : memref<1024x200x64xf32, #tpu.memory_space<hbm>> -> memref<1x200x64xf32, #tpu.memory_space<hbm>>
    %dma_wait3A_73 = tpu.memref_squeeze %dma_wait3A_72 : memref<1x200x64xf32, #tpu.memory_space<hbm>> -> memref<200x64xf32, #tpu.memory_space<hbm>>
    %dma_wait3A_74 = arith.constant 0 : i32
    %dma_wait3A_75 = arith.constant 0 : i32
    %dma_wait3A_76 = tpu.memref_slice %arg5[%mul3A_4, %dma_wait3A_74, %dma_wait3A_75] : memref<1024x200x64xf32, #tpu.memory_space<hbm>> -> memref<1x200x64xf32, #tpu.memory_space<hbm>>
    %dma_wait3A_77 = tpu.memref_squeeze %dma_wait3A_76 : memref<1x200x64xf32, #tpu.memory_space<hbm>> -> memref<200x64xf32, #tpu.memory_space<hbm>>
    tpu.wait_dma2 semaphore(%arg17 : memref<!tpu.dma_semaphore, #tpu.memory_space<semaphore_mem>>) src(%arg9 : memref<200x64xf32, #tpu.memory_space<vmem>>) dst(%dma_wait3A_77 : memref<200x64xf32, #tpu.memory_space<hbm>>)
    %dma_wait3A_78 = arith.constant 0 : i32
    %dma_wait3A_79 = arith.constant 0 : i32
    %dma_wait3A_80 = tpu.memref_slice %arg5[%mul3A_4, %dma_wait3A_78, %dma_wait3A_79] : memref<1024x200x64xf32, #tpu.memory_space<hbm>> -> memref<1x200x64xf32, #tpu.memory_space<hbm>>
    %dma_wait3A_81 = tpu.memref_squeeze %dma_wait3A_80 : memref<1x200x64xf32, #tpu.memory_space<hbm>> -> memref<200x64xf32, #tpu.memory_space<hbm>>
    %dma_wait3A_82 = arith.constant 0 : i32
    %dma_wait3A_83 = arith.constant 0 : i32
    %dma_wait3A_84 = tpu.memref_slice %arg5[%mul3A_4, %dma_wait3A_82, %dma_wait3A_83] : memref<1024x200x64xf32, #tpu.memory_space<hbm>> -> memref<1x200x64xf32, #tpu.memory_space<hbm>>
    %dma_wait3A_85 = tpu.memref_squeeze %dma_wait3A_84 : memref<1x200x64xf32, #tpu.memory_space<hbm>> -> memref<200x64xf32, #tpu.memory_space<hbm>>
    tpu.wait_dma2 semaphore(%arg18 : memref<!tpu.dma_semaphore, #tpu.memory_space<semaphore_mem>>) src(%arg10 : memref<200x64xf32, #tpu.memory_space<vmem>>) dst(%dma_wait3A_85 : memref<200x64xf32, #tpu.memory_space<hbm>>)
    %dma_wait3A_86 = arith.constant 0 : i32
    %dma_wait3A_87 = arith.constant 0 : i32
    %dma_wait3A_88 = tpu.memref_slice %arg5[%mul3A_4, %dma_wait3A_86, %dma_wait3A_87] : memref<1024x200x64xf32, #tpu.memory_space<hbm>> -> memref<1x200x64xf32, #tpu.memory_space<hbm>>
    %dma_wait3A_89 = tpu.memref_squeeze %dma_wait3A_88 : memref<1x200x64xf32, #tpu.memory_space<hbm>> -> memref<200x64xf32, #tpu.memory_space<hbm>>
    %dma_wait3A_90 = arith.constant 0 : i32
    %dma_wait3A_91 = arith.constant 0 : i32
    %dma_wait3A_92 = tpu.memref_slice %arg5[%mul3A_4, %dma_wait3A_90, %dma_wait3A_91] : memref<1024x200x64xf32, #tpu.memory_space<hbm>> -> memref<1x200x64xf32, #tpu.memory_space<hbm>>
    %dma_wait3A_93 = tpu.memref_squeeze %dma_wait3A_92 : memref<1x200x64xf32, #tpu.memory_space<hbm>> -> memref<200x64xf32, #tpu.memory_space<hbm>>
    tpu.wait_dma2 semaphore(%arg19 : memref<!tpu.dma_semaphore, #tpu.memory_space<semaphore_mem>>) src(%arg11 : memref<200x64xf32, #tpu.memory_space<vmem>>) dst(%dma_wait3A_93 : memref<200x64xf32, #tpu.memory_space<hbm>>)
    return
  }
}

</mosaic_0001>

<sc_bundles>
// kernel: kernel.3.cloned.1.call-start
scs
__scs_entry_jumppad:
0x0: {  	(pc) =	sbr.rel $0x88, $3  }
0x1: {  	(tag) =	ssettag $0x0;
	lr =	simm.s32 $0x1  }
0x2: {  	[smem:$0x3F9E] =	sst lr;
	_ =	strace $0xD0000000  }
0x3: {  	_ = 	snop  }
0x4: {  	_ = 	snop  }
0x5: {  	_ = 	snop  }
0x6: {  	_ = 	snop  }
0x7: {  	_ = 	snop  }
__scs_overlays_trampoline_lowered:
0x8: {  	[smem:$0x3FAD] =	sst s0  }
0x9: {  	[smem:$0x3FAE] =	sst s1  }
0xa: {  	[smem:$0x3FAF] =	sst s2  }
0xb: {  	[smem:$0x3FB0] =	sst s3  }
0xc: {  	[smem:$0x3FB1] =	sst s4  }
0xd: {  	[smem:$0x3FB2] =	sst s5  }
0xe: {  	[smem:$0x3FB3] =	sst s6  }
0xf: {  	[smem:$0x3FB4] =	sst s7  }
0x10: {  	[smem:$0x3FB5] =	sst s8  }
0x11: {  	[smem:$0x3FB6] =	sst s9;
	s0 =	simm.s32 @!p0 $0x0  }
0x12: {  	s1 =	sld [smem:$0x3F9C];
	s0 =	simm.s32 @p0 $0x1  }
0x13: {  	[smem:$0x3FB7] =	sst s0;
	s0 =	simm.s32 @!p1 $0x0  }
0x14: {  	s2 =	sld [smem:$0x3F9B];
	s0 =	simm.s32 @p1 $0x1  }
0x15: {  	[smem:$0x3FB8] =	sst s0;
	s0 =	simm.s32 @!p2 $0x0  }
0x16: {  	s3 =	sld [smem:$0x3FDB];
	s0 =	simm.s32 @p2 $0x1  }
0x17: {  	s4 =	simm.s32 $0x1BF5;
	[smem:$0x3FBA] =	sst s0  }
0x18: {  	s0 =	sld [smem:$0x3F9D];
	_ =	swait.ge [sflag:s4], $0x0  }
0x19: {  	s7 =	sld [smem:$0x3F9E]  }
0x1a: {  	s8 =	sadd.s32 $0xFFFFE003, lr  }
0x1b: {  	s9 =	sadd.s32 $0xFFFFFEF7, lr;
	s5 =	simm.s32 $0xFFFFFFFF;
	p2 =	slt.u32 s8, $0xFFFFF086  }
0x1c: {  	p1 =	slt.u32 s9, $0xF7A;
	s5 =	simm.s32 @!p2 $0x0  }
0x1d: {  	s5 =	simm.s32 @p1 $0x1;
	p0 =	seq.s32 s7, s2  }
0x1e: {  	s7 =	smul.u32 @!p0 $0xF7A, s2;
	p2 =	seq.s32 @!p0 s5, $0x0  }
0x1f: {  	s9 =	smul.u32 $0xF7A, s1;
	s8 =	simm.s32 @!p0 $0x1BF5;
	p2 =	por !p2, p0  }
0x20: {  	[sflag:s8] =	ssyncset.s32 @!p0 $0xFFFFF086;
	s6 =	sadd.s32 @!p0 s3, s7;
	s7 =	simm.s32 @!p0 $0x108  }
0x21: {  	s3 =	sadd.s32 s3, s9;
	s6 =	sadd.s32 @!p0 $0x88, s6;
	s7 =	simm.s32 @p2 $0x1082  }
0x22: {  	[simem:s7], [sflag:s8] =	dma.local @!p0 [hbm:s6], $0xF7A  }
0x23: {  	s9 =	sor.u32 $0xD0000000, s2;
	s6 =	simm.s32 $0x108;
	_ =	swait.ge @!p0 [sflag:s8], $0x0  }
0x24: {  	s3 =	sadd.s32 $0x88, s3;
	s6 =	simm.s32 @!p1 $0x1082;
	[sflag:s4] =	ssyncset.s32 $0xFFFFF086  }
0x25: {  	[simem:s6], [sflag:s4] =	dma.local [hbm:s3], $0xF7A  }
0x26: {  	[smem:$0x3F9E] =	sst s1;
	(tag) =	ssettag s2;
	_ =	strace s9  }
0x27: {  	s1 =	sld [smem:$0x3FAE]  }
0x28: {  	s2 =	sld [smem:$0x3FAF]  }
0x29: {  	s4 =	sld [smem:$0x3FB1]  }
0x2a: {  	p0 =	seq.s32 s5, $0x0;
	s5 =	sld [smem:$0x3FB2]  }
0x2b: {  	s6 =	sld [smem:$0x3FB3]  }
0x2c: {  	s7 =	sld [smem:$0x3FB4]  }
0x2d: {  	s3 =	simm.s32 $0x108;
	s8 =	sld [smem:$0x3FB5]  }
0x2e: {  	s3 =	simm.s32 @!p0 $0x1082;
	s9 =	sld [smem:$0x3FB6]  }
0x2f: {  	lr =	sadd.s32 s0, s3;
	s0 =	sld [smem:$0x3FAD]  }
0x30: {  	s3 =	sld [smem:$0x3FB0]  }
0x31: {  	[smem:$0x3FB9] =	sst s10  }
0x32: {  	s10 =	sld [smem:$0x3FB7];
	_ =	sdelay $0x3  }
0x33: {  	p0 =	seq.s32 s10, $0x1;
	s10 =	sld [smem:$0x3FB9];
	_ =	sdelay $0x3  }
0x34: {  	[smem:$0x3FB9] =	sst s10  }
0x35: {  	s10 =	sld [smem:$0x3FB8];
	_ =	sdelay $0x3  }
0x36: {  	p1 =	seq.s32 s10, $0x1;
	s10 =	sld [smem:$0x3FB9];
	_ =	sdelay $0x3  }
0x37: {  	[smem:$0x3FB9] =	sst s10  }
0x38: {  	s10 =	sld [smem:$0x3FBA]  }
0x39: {  	_ = 	snop;
	(pc) =	sbr.ind lr, $3  }
0x3a: {  	_ = 	snop  }
0x3b: {  	_ = 	snop  }
0x3c: {  	p2 =	seq.s32 s10, $0x1;
	s10 =	sld [smem:$0x3FB9]  }
0x3d: {  	_ =	shalt  }
0x3e: {  	_ =	shalt  }
0x3f: {  	_ =	shalt  }
0x40: {  	_ =	shalt  }
0x41: {  	_ =	shalt  }
0x42: {  	_ =	shalt  }
0x43: {  	_ =	shalt  }
0x44: {  	_ =	shalt  }
0x45: {  	_ =	shalt  }
0x46: {  	_ =	shalt  }
0x47: {  	_ =	shalt  }
0x48: {  	_ =	shalt  }
0x49: {  	_ =	shalt  }
0x4a: {  	_ =	shalt  }
0x4b: {  	_ =	shalt  }
0x4c: {  	_ =	shalt  }
0x4d: {  	_ =	shalt  }
0x4e: {  	_ =	shalt  }
0x4f: {  	_ =	shalt  }
0x50: {  	_ =	shalt  }
0x51: {  	_ =	shalt  }
0x52: {  	_ =	shalt  }
0x53: {  	_ =	shalt  }
0x54: {  	_ =	shalt  }
0x55: {  	_ =	shalt  }
0x56: {  	_ =	shalt  }
0x57: {  	_ =	shalt  }
0x58: {  	_ =	shalt  }
0x59: {  	_ =	shalt  }
0x5a: {  	_ =	shalt  }
0x5b: {  	_ =	shalt  }
0x5c: {  	_ =	shalt  }
0x5d: {  	_ =	shalt  }
0x5e: {  	_ =	shalt  }
0x5f: {  	_ =	shalt  }
0x60: {  	_ =	shalt  }
0x61: {  	_ =	shalt  }
0x62: {  	_ =	shalt  }
0x63: {  	_ =	shalt  }
0x64: {  	_ =	shalt  }
0x65: {  	_ =	shalt  }
0x66: {  	_ =	shalt  }
0x67: {  	_ =	shalt  }
0x68: {  	_ =	shalt  }
0x69: {  	_ =	shalt  }
0x6a: {  	_ =	shalt  }
0x6b: {  	_ =	shalt  }
0x6c: {  	_ =	shalt  }
0x6d: {  	_ =	shalt  }
0x6e: {  	_ =	shalt  }
0x6f: {  	_ =	shalt  }
0x70: {  	_ =	shalt  }
0x71: {  	_ =	shalt  }
0x72: {  	_ =	shalt  }
0x73: {  	_ =	shalt  }
0x74: {  	_ =	shalt  }
0x75: {  	_ =	shalt  }
0x76: {  	_ =	shalt  }
0x77: {  	_ =	shalt  }
0x78: {  	_ =	shalt  }
0x79: {  	_ =	shalt  }
0x7a: {  	_ =	shalt  }
0x7b: {  	_ =	shalt  }
0x7c: {  	_ =	shalt  }
0x7d: {  	_ =	shalt  }
0x7e: {  	_ =	shalt  }
0x7f: {  	_ =	shalt  }
0x80: {  	_ =	shalt  }
0x81: {  	_ =	shalt  }
0x82: {  	_ =	shalt  }
0x83: {  	_ =	shalt  }
0x84: {  	_ =	shalt  }
0x85: {  	_ =	shalt  }
0x86: {  	_ =	shalt  }
0x87: {  	_ =	shalt  }
.Lfunc_end0:
.L_simem_size_0:
called_computation.1_lowered:
.L_overlay_start_0:
0x88: {  	s2 =	sld [smem:$0x3FD9]  }
0x89: {  	s3 =	sld [smem:$0x3FFE];
	_ =	sdelay $0x1  }
0x8a: {  	s1 =	srdreg.scid  }
0x8b: {  	s0 =	sand.u32 $0x1, s1  }
0x8c: {  	s17 =	sshll.u32 s0, $0xA;
	s2 =	sadd.s32 s3, s2  }
0x8d: {  	s2 =	sadd.s32 s2, s17  }
0x8e: {  	[smem:$0x3FC5] =	sst s2  }
0x8f: {  	_ = 	snop  }
0x90: {  	s2 =	sld [smem:$0x3FD0];
	(tm) =	ssettm $0x1  }
0x91: {  	s18 =	sld [smem:$0x3FFB];
	_ =	sdelay $0x3  }
0x92: {  	_ =	strace s18  }
0x93: {  	s3 =	sld [smem:$0x3FFC];
	_ =	sdelay $0x3  }
0x94: {  	_ =	strace s3  }
0x95: {  	s3 =	sld [smem:$0x3FFD];
	_ =	sdelay $0x3  }
0x96: {  	_ =	strace s3  }
0x97: {  	_ =	strace $0x8FFFFFFF  }
0x98: {  	s19 =	sld [smem:$0x3FDB];
	_ =	sdelay $0x1  }
0x99: {  	s4 =	simm.s32 $_scs_section_size  }
0x9a: {  	s5 =	simm.s32 $_size__tile_overlayer_lowered;
	s6 =	simm.s32 $_tile_overlayer_lowered  }
0x9b: {  	s22 =	simm.s32 $0x1BFF;
	s21 =	sshll.u32 s6, $0x1;
	s3 =	sadd.s32 s4, s19  }
0x9c: {  	s7 =	simm.s32 $0x0;
	s20 =	sshll.u32 s5, $0x1;
	s5 =	sadd.s32 s21, s3  }
0x9d: {  	[timem:s7], [sflag:s22] =	dma.local [hbm:s5], s20  }
0x9e: {  	_ =	swait.ge [sflag:s22], s20  }
0x9f: {  	s4 =	ssub.s32 $0x0, s20;
	[sflag:s22] =	ssyncset.done $0x0  }
0xa0: {  	[sflag:s22] =	ssyncadd.s32 s4;
	_ =	sdelay $0x1  }
0xa1: {  	s23 =	simm.s32 $0x1B8B  }
0xa2: {  	_ =	swait.ge [sflag:s23], $0x1  }
0xa3: {  	[sflag:s23] =	ssyncset.done $0x0  }
0xa4: {  	s25 =	simm.s32 $0x1B8E;
	s24 =	sld [smem:$0x3FFE];
	[sflag:s23] =	ssyncadd.s32 $0xFFFFFFFF  }
0xa5: {  	s26 =	simm.s32 $execute0_lowered;
	[smem:$0x3FD2] =	sst s25  }
0xa6: {  	s5 =	sshll.u32 s26, $0x1;
	_ =	strace $0x80000046;
	[dreg:$0x1] =	wrdreg $0xFFFFFFFF  }
0xa7: {  	s28 =	simm.s32 $_size_execute0_lowered;
	s3 =	sadd.s32 s3, s5;
	[dreg:$0x0] =	wrdreg $0x0  }
0xa8: {  	s5 =	sshll.u32 s28, $0x1;
	[dreg:$0x2] =	wrdreg s3  }
0xa9: {  	[dreg:$0x3] =	wrdreg s5  }
0xaa: {  	[dreg:$0x4] =	wrdreg $0xC0  }
0xab: {  	_ =	task [dreg:s7], $0x5FFFF  }
0xac: {  	[dreg:$0x1] =	wrdreg $0xFFFFFFFF  }
0xad: {  	[dreg:$0x0] =	wrdreg $0x60  }
0xae: {  	[dreg:$0x2] =	wrdreg s24  }
0xaf: {  	[dreg:$0x3] =	wrdreg s2  }
0xb0: {  	[dreg:$0x4] =	wrdreg $0x9  }
0xb1: {  	_ =	task.clear_ibuf [dreg:s7], $0x5FFFF;
	_ =	strace $0x90000046  }
0xb2: {  	s29 =	simm.s32 $0x9;
	_ =	strace $0x80000048  }
0xb3: {  	_ =	swait.ge [sflag:s29], $0x1  }
0xb4: {  	[sflag:s29] =	ssyncadd.s32 $0xFFFFFFFF  }
0xb5: {  	_ =	strace $0x90000048  }
0xb6: {  	_ =	sfence  }
0xb7: {  	s30 =	sld [smem:$0x0];
	_ =	sdelay $0x2  }
0xb8: {  	s31 =	sshll.u32 s1, $0xD;
	s1 =	sshrl.u32 s1, $0x2  }
0xb9: {  	s3 =	sand.u32 $0x4000, s31;
	s1 =	sadd.s32 s1, s30  }
0xba: {  	s0 =	sor.u32 s3, s0;
	s1 =	sshll.u32 s1, $0x11  }
0xbb: {  	s0 =	sor.u32 s1, s0  }
0xbc: {  	s0 =	sadd.s32 $0x8F2B, s0  }
0xbd: {  	[sflag:s0] =	ssyncadd.remote.s32 $0x1  }
0xbe: {  	_ =	sfence.sel $0xFFFF  }
0xbf: {  	[dreg:$0x0] =	wrdreg $0xFFFFFFFF;
	(pc) =	sbr.abs _section_cstart, $3  }
0xc0: {  	[dreg:$0x1] =	wrdreg $0xFFFFFFFF  }
0xc1: {  	_ =	task.clear_ibuf [dreg:s7], $0x2FFFF;
	_ =	strace $0x9FFFFFFF  }
0xc2: {  	(tm) =	ssettm $0x7FFFFFFF  }
0xc3: {  	_ =	shalt  }
tec
execute0_lowered:
.L_overlay_start_1:
0x0: {  	(tag) =	ssettag $0x1  }
0x1: {  	s0 =	rddreg [dreg:$0x0];
	s1 =	srdreg.scid  }
0x2: {  	s3 =	stileid.u32;
	s2 =	rddreg [dreg:$0x1];
	s9 =	simm.s32 $0x9  }
0x3: {  	s11 =	simm.s32 $0x68;
	s12 =	simm.s32 $0x4B00;
	s13 =	simm.s32 $0x60  }
0x4: {  	s16 =	simm.s32 $0x7D00;
	s20 =	simm.s32 $0xAF00;
	s22 =	simm.s32 $0xC900  }
0x5: {  	s23 =	simm.s32 $0x1;
	s24 =	simm.s32 $0xE100;
	s28 =	simm.s32 $0x3  }
0x6: {  	s29 =	simm.s32 $0x4;
	s30 =	simm.s32 $0x5;
	s31 =	simm.s32 $0x6  }
0x7: {  	s10 =	simm.s32 $0x0;
	s1 =	sand.u32 $0x1, s1;
	s4 =	sshll.u32 s3, $0x1  }
0x8: {  	s3 =	simm.s32 $0x0;
	s5 =	sor.u32 s1, s4;
	s1 =	ssub.s32 $0x2, s1  }
0x9: {  	[smem:$0x7FF] =	sst s3;
	s4 =	smul.u32 $0x320, s5;
	s6 =	sshrl.u32 s1, $0x1  }
.Ltmp0:
0xa: {  	_ =	strace $0x80000047;
	s25 =	ssub.s32 s1, s6;
	(pc) =	sbr.rel .LBB2_1-.Ltmp0, $4  }
0xb: {  	s6 =	sshll.u32 s5, $0x5;
	s1 =	simm.s32 $0x7;
	s7 =	sadd.s32 s4, s0  }
0xc: {  	s4 =	sadd.s32 $0xF43000, s0;
	s0 =	sadd.s32 $0x7000, s0;
	s8 =	smax.u32 s25, $0x1  }
0xd: {  	s25 =	simm.s32 $0xFB00;
	[dreg:$0x3] =	wrdreg s0;
	s26 =	sadd.s32 $0xC00, s7  }
0xe: {  	s0 =	simm.s32 $0x8;
	[dreg:$0x4] =	wrdreg s26;
	s26 =	simm.s32 $0x2  }
.LBB2_12:
0xf: {  	_ =	swait.ge [sflag:s30], $0x3200  }
0x10: {  	[sflag:s30] =	ssyncset.done $0x0  }
0x11: {  	[sflag:s30] =	ssyncadd.s32 $0xFFFFCE00  }
0x12: {  	_ =	swait.ge [sflag:s31], $0x3200  }
0x13: {  	[sflag:s31] =	ssyncset.done $0x0  }
0x14: {  	s10 =	sadd.s32 $0x1, s10;
	[sflag:s31] =	ssyncadd.s32 $0xFFFFCE00  }
0x15: {  	p0 =	sne.s32 s10, s8;
	_ =	swait.ge [sflag:s1], $0x3200  }
.Ltmp1:
0x16: {  	[sflag:s1] =	ssyncset.done $0x0;
	(pc) =	sbr.rel @!p0 .LBB2_13-.Ltmp1, $4  }
0x17: {  	[sflag:s1] =	ssyncadd.s32 $0xFFFFCE00  }
0x18: {  	_ =	swait.ge [sflag:s0], $0x3200  }
0x19: {  	[sflag:s0] =	ssyncset.done $0x0  }
0x1a: {  	[sflag:s0] =	ssyncadd.s32 $0xFFFFCE00  }
.LBB2_1:
0x1b: {  	s5 =	rddreg [dreg:$0x4]  }
0x1c: {  	[tilespmem:s3], [sflag:$0x9] =	stream.linear.gather [hbm4b:s5+s3], $0x1900, $0x38;
	[tilespmem:$0x11300] =	vst v63  }
0x1d: {  	_ =	swait.ge [sflag:s9], $0x1900  }
0x1e: {  	[sflag:s9] =	ssyncset.done $0x0  }
0x1f: {  	s7 =	simm.s32 $0x1900;
	s21 =	rddreg [dreg:$0x3];
	[sflag:s9] =	ssyncadd.s32 $0xFFFFE700  }
0x20: {  	[tilespmem:s7], [sflag:$0x9] =	stream.linear.gather [hbm4b:s21+s3], $0x3200, $0x38;
	[tilespmem:$0x11300] =	vst v63  }
0x21: {  	_ =	swait.ge [sflag:s9], $0x3200  }
0x22: {  	[sflag:s9] =	ssyncset.done $0x0  }
0x23: {  	[sflag:s9] =	ssyncadd.s32 $0xFFFFCE00  }
0x24: {  	[tilespmem:s12], [sflag:$0x1] =	stream.indirect.gather [hbm4b:s4+s11], $0x40, s3, s11, $0xb8;
	[tilespmem:$0x11300] =	vst v63  }
0x25: {  	s14 =	simm.s32 $0x6500  }
0x26: {  	[tilespmem:s14], [sflag:$0x1] =	stream.indirect.gather [hbm4b:s4+s13], $0x40, s11, s13, $0xb8;
	[tilespmem:$0x11300] =	vst v63  }
0x27: {  	s15 =	simm.s32 $0xC8  }
0x28: {  	[tilespmem:s16], [sflag:$0x2] =	stream.indirect.gather [hbm4b:s4+s11], $0x40, s15, s11, $0xb8;
	[tilespmem:$0x11300] =	vst v63  }
0x29: {  	s17 =	simm.s32 $0x130;
	s18 =	simm.s32 $0x9700  }
0x2a: {  	[tilespmem:s18], [sflag:$0x2] =	stream.indirect.gather [hbm4b:s4+s13], $0x40, s17, s13, $0xb8;
	[tilespmem:$0x11300] =	vst v63  }
0x2b: {  	s19 =	simm.s32 $0x190  }
0x2c: {  	[tilespmem:s20], [sflag:$0x3] =	stream.indirect.gather [hbm4b:s4+s11], $0x40, s19, s11, $0xb8;
	[tilespmem:$0x11300] =	vst v63  }
0x2d: {  	s21 =	simm.s32 $0x1F8;
	s14 =	simm.s32 $0x0  }
0x2e: {  	[tilespmem:s22], [sflag:$0x3] =	stream.indirect.gather [hbm4b:s4+s13], $0x40, s21, s13, $0xb8;
	[tilespmem:$0x11300] =	vst v63  }
.LBB2_2:
0x2f: {  	_ =	swait.ge [sflag:s23], $0x3200  }
0x30: {  	[sflag:s23] =	ssyncset.done $0x0  }
0x31: {  	s15 =	simm.s32 $0x4B80;
	[sflag:s23] =	ssyncadd.s32 $0xFFFFCE00  }
0x32: {  	s17 =	simm.s32 $0x1980;
	v0 =	vld [tilespmem:s15+$0xFFFFFF80]  }
0x33: {  	v1 =	vld [tilespmem:s17+$0xFFFFFF80];
	_ =	sdelay $0x4  }
0x34: {  	v0 =	vadd.f32 v1, v0;
	_ =	sdelay $0x1  }
0x35: {  	[tilespmem:s15+$0xFFFFFF80] =	vst v0;
	v0 =	vld [tilespmem:s15+$0xFFFFFF90]  }
0x36: {  	v1 =	vld [tilespmem:s17+$0xFFFFFF90];
	_ =	sdelay $0x4  }
0x37: {  	v0 =	vadd.f32 v1, v0;
	_ =	sdelay $0x1  }
0x38: {  	[tilespmem:s15+$0xFFFFFF90] =	vst v0;
	v0 =	vld [tilespmem:s15+$0xFFFFFFA0]  }
0x39: {  	v1 =	vld [tilespmem:s17+$0xFFFFFFA0];
	_ =	sdelay $0x4  }
0x3a: {  	v0 =	vadd.f32 v1, v0;
	_ =	sdelay $0x1  }
0x3b: {  	[tilespmem:s15+$0xFFFFFFA0] =	vst v0;
	v0 =	vld [tilespmem:s15+$0xFFFFFFB0]  }
0x3c: {  	v1 =	vld [tilespmem:s17+$0xFFFFFFB0];
	_ =	sdelay $0x4  }
0x3d: {  	v0 =	vadd.f32 v1, v0;
	_ =	sdelay $0x1  }
0x3e: {  	[tilespmem:s15+$0xFFFFFFB0] =	vst v0;
	v0 =	vld [tilespmem:s15+$0xFFFFFFC0]  }
0x3f: {  	v1 =	vld [tilespmem:s17+$0xFFFFFFC0];
	_ =	sdelay $0x4  }
0x40: {  	v0 =	vadd.f32 v1, v0;
	_ =	sdelay $0x1  }
0x41: {  	[tilespmem:s15+$0xFFFFFFC0] =	vst v0;
	v0 =	vld [tilespmem:s15+$0xFFFFFFD0]  }
0x42: {  	v1 =	vld [tilespmem:s17+$0xFFFFFFD0];
	_ =	sdelay $0x4  }
0x43: {  	v0 =	vadd.f32 v1, v0;
	_ =	sdelay $0x1  }
0x44: {  	[tilespmem:s15+$0xFFFFFFD0] =	vst v0;
	v0 =	vld [tilespmem:s15+$0xFFFFFFE0]  }
0x45: {  	v1 =	vld [tilespmem:s17+$0xFFFFFFE0];
	_ =	sdelay $0x4  }
0x46: {  	v0 =	vadd.f32 v1, v0;
	_ =	sdelay $0x1  }
0x47: {  	[tilespmem:s15+$0xFFFFFFE0] =	vst v0;
	v0 =	vld [tilespmem:s15+$0xFFFFFFF0]  }
0x48: {  	v1 =	vld [tilespmem:s17+$0xFFFFFFF0];
	_ =	sdelay $0x4  }
0x49: {  	v0 =	vadd.f32 v1, v0;
	_ =	sdelay $0x1  }
0x4a: {  	[tilespmem:s15+$0xFFFFFFF0] =	vst v0;
	v0 =	vld [tilespmem:s15+$0x0]  }
0x4b: {  	v1 =	vld [tilespmem:s17+$0x0];
	_ =	sdelay $0x4  }
0x4c: {  	v0 =	vadd.f32 v1, v0;
	_ =	sdelay $0x1  }
0x4d: {  	[tilespmem:s15+$0x0] =	vst v0;
	v0 =	vld [tilespmem:s15+$0x10]  }
0x4e: {  	v1 =	vld [tilespmem:s17+$0x10];
	_ =	sdelay $0x4  }
0x4f: {  	v0 =	vadd.f32 v1, v0;
	_ =	sdelay $0x1  }
0x50: {  	[tilespmem:s15+$0x10] =	vst v0;
	v0 =	vld [tilespmem:s15+$0x20]  }
0x51: {  	v1 =	vld [tilespmem:s17+$0x20];
	_ =	sdelay $0x4  }
0x52: {  	v0 =	vadd.f32 v1, v0;
	_ =	sdelay $0x1  }
0x53: {  	[tilespmem:s15+$0x20] =	vst v0;
	v0 =	vld [tilespmem:s15+$0x30]  }
0x54: {  	v1 =	vld [tilespmem:s17+$0x30];
	_ =	sdelay $0x4  }
0x55: {  	v0 =	vadd.f32 v1, v0;
	_ =	sdelay $0x1  }
0x56: {  	[tilespmem:s15+$0x30] =	vst v0;
	v0 =	vld [tilespmem:s15+$0x40]  }
0x57: {  	v1 =	vld [tilespmem:s17+$0x40];
	_ =	sdelay $0x4  }
0x58: {  	v0 =	vadd.f32 v1, v0;
	_ =	sdelay $0x1  }
0x59: {  	[tilespmem:s15+$0x40] =	vst v0;
	v0 =	vld [tilespmem:s15+$0x50]  }
0x5a: {  	v1 =	vld [tilespmem:s17+$0x50];
	_ =	sdelay $0x4  }
0x5b: {  	v0 =	vadd.f32 v1, v0;
	_ =	sdelay $0x1  }
0x5c: {  	[tilespmem:s15+$0x50] =	vst v0;
	v0 =	vld [tilespmem:s15+$0x60]  }
0x5d: {  	v1 =	vld [tilespmem:s17+$0x60];
	_ =	sdelay $0x4  }
0x5e: {  	v0 =	vadd.f32 v1, v0;
	_ =	sdelay $0x1  }
0x5f: {  	[tilespmem:s15+$0x60] =	vst v0;
	v0 =	vld [tilespmem:s15+$0x70]  }
0x60: {  	v1 =	vld [tilespmem:s17+$0x70];
	_ =	sdelay $0x4  }
0x61: {  	v0 =	vadd.f32 v1, v0  }
0x62: {  	s18 =	simm.s32 $0x0;
	s5 =	simm.s32 $0x4C80  }
.LBB2_3:
0x63: {  	v1 =	vld [tilespmem:s5+$0xFFFFFF80];
	[tilespmem:s15+$0x70] =	vst v0;
	s17 =	sadd.s32 $0x100, s17;
	s15 =	smov.u32 s5  }
0x64: {  	s18 =	sadd.s32 $0x4, s18;
	v0 =	vld [tilespmem:s17+$0xFFFFFF80]  }
0x65: {  	p0 =	slt.u32 s18, $0xC4;
	_ =	sdelay $0x3  }
0x66: {  	v0 =	vadd.f32 v0, v1;
	_ =	sdelay $0x1  }
0x67: {  	[tilespmem:s5+$0xFFFFFF80] =	vst v0;
	v0 =	vld [tilespmem:s5+$0xFFFFFF90]  }
0x68: {  	v1 =	vld [tilespmem:s17+$0xFFFFFF90];
	_ =	sdelay $0x4  }
0x69: {  	v0 =	vadd.f32 v1, v0;
	_ =	sdelay $0x1  }
0x6a: {  	[tilespmem:s5+$0xFFFFFF90] =	vst v0;
	v0 =	vld [tilespmem:s5+$0xFFFFFFA0]  }
0x6b: {  	v1 =	vld [tilespmem:s17+$0xFFFFFFA0];
	_ =	sdelay $0x4  }
0x6c: {  	v0 =	vadd.f32 v1, v0;
	_ =	sdelay $0x1  }
0x6d: {  	[tilespmem:s5+$0xFFFFFFA0] =	vst v0;
	v0 =	vld [tilespmem:s5+$0xFFFFFFB0]  }
0x6e: {  	v1 =	vld [tilespmem:s17+$0xFFFFFFB0];
	_ =	sdelay $0x4  }
0x6f: {  	v0 =	vadd.f32 v1, v0;
	_ =	sdelay $0x1  }
0x70: {  	[tilespmem:s5+$0xFFFFFFB0] =	vst v0;
	v0 =	vld [tilespmem:s5+$0xFFFFFFC0]  }
0x71: {  	v1 =	vld [tilespmem:s17+$0xFFFFFFC0];
	_ =	sdelay $0x4  }
0x72: {  	v0 =	vadd.f32 v1, v0;
	_ =	sdelay $0x1  }
0x73: {  	[tilespmem:s5+$0xFFFFFFC0] =	vst v0;
	v0 =	vld [tilespmem:s5+$0xFFFFFFD0]  }
0x74: {  	v1 =	vld [tilespmem:s17+$0xFFFFFFD0];
	_ =	sdelay $0x4  }
0x75: {  	v0 =	vadd.f32 v1, v0;
	_ =	sdelay $0x1  }
0x76: {  	[tilespmem:s5+$0xFFFFFFD0] =	vst v0;
	v0 =	vld [tilespmem:s5+$0xFFFFFFE0]  }
0x77: {  	v1 =	vld [tilespmem:s17+$0xFFFFFFE0];
	_ =	sdelay $0x4  }
0x78: {  	v0 =	vadd.f32 v1, v0;
	_ =	sdelay $0x1  }
0x79: {  	[tilespmem:s5+$0xFFFFFFE0] =	vst v0;
	v0 =	vld [tilespmem:s5+$0xFFFFFFF0]  }
0x7a: {  	v1 =	vld [tilespmem:s17+$0xFFFFFFF0];
	_ =	sdelay $0x4  }
0x7b: {  	v0 =	vadd.f32 v1, v0;
	_ =	sdelay $0x1  }
0x7c: {  	[tilespmem:s5+$0xFFFFFFF0] =	vst v0;
	v0 =	vld [tilespmem:s5+$0x0]  }
0x7d: {  	v1 =	vld [tilespmem:s17+$0x0];
	_ =	sdelay $0x4  }
0x7e: {  	v0 =	vadd.f32 v1, v0;
	_ =	sdelay $0x1  }
0x7f: {  	[tilespmem:s5+$0x0] =	vst v0;
	v0 =	vld [tilespmem:s5+$0x10]  }
0x80: {  	v1 =	vld [tilespmem:s17+$0x10];
	_ =	sdelay $0x4  }
0x81: {  	v0 =	vadd.f32 v1, v0;
	_ =	sdelay $0x1  }
0x82: {  	[tilespmem:s5+$0x10] =	vst v0;
	v0 =	vld [tilespmem:s5+$0x20]  }
0x83: {  	v1 =	vld [tilespmem:s17+$0x20];
	_ =	sdelay $0x4  }
0x84: {  	v0 =	vadd.f32 v1, v0;
	_ =	sdelay $0x1  }
0x85: {  	[tilespmem:s5+$0x20] =	vst v0;
	v0 =	vld [tilespmem:s5+$0x30]  }
0x86: {  	v1 =	vld [tilespmem:s17+$0x30];
	_ =	sdelay $0x4  }
0x87: {  	v0 =	vadd.f32 v1, v0;
	_ =	sdelay $0x1  }
0x88: {  	[tilespmem:s5+$0x30] =	vst v0;
	v0 =	vld [tilespmem:s5+$0x40]  }
0x89: {  	v1 =	vld [tilespmem:s17+$0x40];
	_ =	sdelay $0x4  }
0x8a: {  	v0 =	vadd.f32 v1, v0;
	_ =	sdelay $0x1  }
0x8b: {  	[tilespmem:s5+$0x40] =	vst v0;
	v0 =	vld [tilespmem:s5+$0x50]  }
0x8c: {  	v1 =	vld [tilespmem:s17+$0x50];
	_ =	sdelay $0x4  }
0x8d: {  	v0 =	vadd.f32 v1, v0;
	_ =	sdelay $0x1  }
0x8e: {  	[tilespmem:s5+$0x50] =	vst v0;
	v0 =	vld [tilespmem:s5+$0x60]  }
0x8f: {  	v1 =	vld [tilespmem:s17+$0x60];
	_ =	sdelay $0x4  }
0x90: {  	v0 =	vadd.f32 v1, v0;
	_ =	sdelay $0x1  }
0x91: {  	[tilespmem:s5+$0x60] =	vst v0;
	v0 =	vld [tilespmem:s5+$0x70]  }
0x92: {  	v1 =	vld [tilespmem:s17+$0x70];
	_ =	sdelay $0x1  }
.Ltmp2:
0x93: {  	(pc) =	sbr.rel @p0 .LBB2_3-.Ltmp2, $3  }
0x94: {  	_ =	sdelay $0x1  }
0x95: {  	v0 =	vadd.f32 v1, v0  }
0x96: {  	s5 =	sadd.s32 $0x100, s5  }
0x97: {  	s17 =	sshll.u32 s14, $0x2  }
0x98: {  	s5 =	sadd.s32 s6, s17  }
0x99: {  	s5 =	smul.u32 $0x640, s5;
	_ =	sdelay $0x1  }
0x9a: {  	[tilespmem:s15+$0x70] =	vst v0;
	p0 =	seq.s32 s14, $0x0;
	s5 =	sadd.s32 s2, s5  }
0x9b: {  	[hbm4b:s5+s3] =	stream.linear.scatter [tilespmem:s12], [sflag:$0x5], $0x3200, $0x38;
	[tilespmem:$0x11300] =	vst v63  }
0x9c: {  	s15 =	sshllo.u32 s14, $0x2;
	s5 =	simm.s32 @!p0 $0x8  }
0x9d: {  	s7 =	smul.u32 $0x320, s15;
	_ =	swait.ge @!p0 [sflag:s5], $0x3200  }
0x9e: {  	[sflag:s5] =	ssyncset.done @!p0 $0x0  }
0x9f: {  	s21 =	sshra.s32 s7, $0x2;
	[sflag:s5] =	ssyncadd.s32 @!p0 $0xFFFFCE00  }
0xa0: {  	[tilespmem:s24], [sflag:$0x4] =	stream.indirect.gather [hbm4b:s4+s11], $0x40, s21, s11, $0xb8;
	[tilespmem:$0x11300] =	vst v63  }
0xa1: {  	s5 =	sadd.s32 $0x68, s21  }
0xa2: {  	[tilespmem:s25], [sflag:$0x4] =	stream.indirect.gather [hbm4b:s4+s13], $0x40, s5, s13, $0xb8;
	[tilespmem:$0x11300] =	vst v63  }
0xa3: {  	_ =	swait.ge [sflag:s26], $0x3200  }
0xa4: {  	[sflag:s26] =	ssyncset.done $0x0  }
0xa5: {  	s18 =	simm.s32 $0x7D80;
	[sflag:s26] =	ssyncadd.s32 $0xFFFFCE00  }
0xa6: {  	s19 =	simm.s32 $0x1980;
	v0 =	vld [tilespmem:s18+$0xFFFFFF80]  }
0xa7: {  	v1 =	vld [tilespmem:s19+$0xFFFFFF80];
	_ =	sdelay $0x4  }
0xa8: {  	v0 =	vadd.f32 v1, v0;
	_ =	sdelay $0x1  }
0xa9: {  	[tilespmem:s18+$0xFFFFFF80] =	vst v0;
	v0 =	vld [tilespmem:s18+$0xFFFFFF90]  }
0xaa: {  	v1 =	vld [tilespmem:s19+$0xFFFFFF90];
	_ =	sdelay $0x4  }
0xab: {  	v0 =	vadd.f32 v1, v0;
	_ =	sdelay $0x1  }
0xac: {  	[tilespmem:s18+$0xFFFFFF90] =	vst v0;
	v0 =	vld [tilespmem:s18+$0xFFFFFFA0]  }
0xad: {  	v1 =	vld [tilespmem:s19+$0xFFFFFFA0];
	_ =	sdelay $0x4  }
0xae: {  	v0 =	vadd.f32 v1, v0;
	_ =	sdelay $0x1  }
0xaf: {  	[tilespmem:s18+$0xFFFFFFA0] =	vst v0;
	v0 =	vld [tilespmem:s18+$0xFFFFFFB0]  }
0xb0: {  	v1 =	vld [tilespmem:s19+$0xFFFFFFB0];
	_ =	sdelay $0x4  }
0xb1: {  	v0 =	vadd.f32 v1, v0;
	_ =	sdelay $0x1  }
0xb2: {  	[tilespmem:s18+$0xFFFFFFB0] =	vst v0;
	v0 =	vld [tilespmem:s18+$0xFFFFFFC0]  }
0xb3: {  	v1 =	vld [tilespmem:s19+$0xFFFFFFC0];
	_ =	sdelay $0x4  }
0xb4: {  	v0 =	vadd.f32 v1, v0;
	_ =	sdelay $0x1  }
0xb5: {  	[tilespmem:s18+$0xFFFFFFC0] =	vst v0;
	v0 =	vld [tilespmem:s18+$0xFFFFFFD0]  }
0xb6: {  	v1 =	vld [tilespmem:s19+$0xFFFFFFD0];
	_ =	sdelay $0x4  }
0xb7: {  	v0 =	vadd.f32 v1, v0;
	_ =	sdelay $0x1  }
0xb8: {  	[tilespmem:s18+$0xFFFFFFD0] =	vst v0;
	v0 =	vld [tilespmem:s18+$0xFFFFFFE0]  }
0xb9: {  	v1 =	vld [tilespmem:s19+$0xFFFFFFE0];
	_ =	sdelay $0x4  }
0xba: {  	v0 =	vadd.f32 v1, v0;
	_ =	sdelay $0x1  }
0xbb: {  	[tilespmem:s18+$0xFFFFFFE0] =	vst v0;
	v0 =	vld [tilespmem:s18+$0xFFFFFFF0]  }
0xbc: {  	v1 =	vld [tilespmem:s19+$0xFFFFFFF0];
	_ =	sdelay $0x4  }
0xbd: {  	v0 =	vadd.f32 v1, v0;
	_ =	sdelay $0x1  }
0xbe: {  	[tilespmem:s18+$0xFFFFFFF0] =	vst v0;
	v0 =	vld [tilespmem:s18+$0x0]  }
0xbf: {  	v1 =	vld [tilespmem:s19+$0x0];
	_ =	sdelay $0x4  }
0xc0: {  	v0 =	vadd.f32 v1, v0;
	_ =	sdelay $0x1  }
0xc1: {  	[tilespmem:s18+$0x0] =	vst v0;
	v0 =	vld [tilespmem:s18+$0x10]  }
0xc2: {  	v1 =	vld [tilespmem:s19+$0x10];
	_ =	sdelay $0x4  }
0xc3: {  	v0 =	vadd.f32 v1, v0;
	_ =	sdelay $0x1  }
0xc4: {  	[tilespmem:s18+$0x10] =	vst v0;
	v0 =	vld [tilespmem:s18+$0x20]  }
0xc5: {  	v1 =	vld [tilespmem:s19+$0x20];
	_ =	sdelay $0x4  }
0xc6: {  	v0 =	vadd.f32 v1, v0;
	_ =	sdelay $0x1  }
0xc7: {  	[tilespmem:s18+$0x20] =	vst v0;
	v0 =	vld [tilespmem:s18+$0x30]  }
0xc8: {  	v1 =	vld [tilespmem:s19+$0x30];
	_ =	sdelay $0x4  }
0xc9: {  	v0 =	vadd.f32 v1, v0;
	_ =	sdelay $0x1  }
0xca: {  	[tilespmem:s18+$0x30] =	vst v0;
	v0 =	vld [tilespmem:s18+$0x40]  }
0xcb: {  	v1 =	vld [tilespmem:s19+$0x40];
	_ =	sdelay $0x4  }
0xcc: {  	v0 =	vadd.f32 v1, v0;
	_ =	sdelay $0x1  }
0xcd: {  	[tilespmem:s18+$0x40] =	vst v0;
	v0 =	vld [tilespmem:s18+$0x50]  }
0xce: {  	v1 =	vld [tilespmem:s19+$0x50];
	_ =	sdelay $0x4  }
0xcf: {  	v0 =	vadd.f32 v1, v0;
	_ =	sdelay $0x1  }
0xd0: {  	[tilespmem:s18+$0x50] =	vst v0;
	v0 =	vld [tilespmem:s18+$0x60]  }
0xd1: {  	v1 =	vld [tilespmem:s19+$0x60];
	_ =	sdelay $0x4  }
0xd2: {  	v0 =	vadd.f32 v1, v0;
	_ =	sdelay $0x1  }
0xd3: {  	[tilespmem:s18+$0x60] =	vst v0;
	v0 =	vld [tilespmem:s18+$0x70]  }
0xd4: {  	v1 =	vld [tilespmem:s19+$0x70];
	_ =	sdelay $0x4  }
0xd5: {  	v0 =	vadd.f32 v1, v0  }
0xd6: {  	s21 =	simm.s32 $0x0;
	s5 =	simm.s32 $0x7E80  }
.LBB2_5:
0xd7: {  	v1 =	vld [tilespmem:s5+$0xFFFFFF80];
	[tilespmem:s18+$0x70] =	vst v0;
	s19 =	sadd.s32 $0x100, s19;
	s18 =	smov.u32 s5  }
0xd8: {  	s21 =	sadd.s32 $0x4, s21;
	v0 =	vld [tilespmem:s19+$0xFFFFFF80]  }
0xd9: {  	p0 =	slt.u32 s21, $0xC4;
	_ =	sdelay $0x3  }
0xda: {  	v0 =	vadd.f32 v0, v1;
	_ =	sdelay $0x1  }
0xdb: {  	[tilespmem:s5+$0xFFFFFF80] =	vst v0;
	v0 =	vld [tilespmem:s5+$0xFFFFFF90]  }
0xdc: {  	v1 =	vld [tilespmem:s19+$0xFFFFFF90];
	_ =	sdelay $0x4  }
0xdd: {  	v0 =	vadd.f32 v1, v0;
	_ =	sdelay $0x1  }
0xde: {  	[tilespmem:s5+$0xFFFFFF90] =	vst v0;
	v0 =	vld [tilespmem:s5+$0xFFFFFFA0]  }
0xdf: {  	v1 =	vld [tilespmem:s19+$0xFFFFFFA0];
	_ =	sdelay $0x4  }
0xe0: {  	v0 =	vadd.f32 v1, v0;
	_ =	sdelay $0x1  }
0xe1: {  	[tilespmem:s5+$0xFFFFFFA0] =	vst v0;
	v0 =	vld [tilespmem:s5+$0xFFFFFFB0]  }
0xe2: {  	v1 =	vld [tilespmem:s19+$0xFFFFFFB0];
	_ =	sdelay $0x4  }
0xe3: {  	v0 =	vadd.f32 v1, v0;
	_ =	sdelay $0x1  }
0xe4: {  	[tilespmem:s5+$0xFFFFFFB0] =	vst v0;
	v0 =	vld [tilespmem:s5+$0xFFFFFFC0]  }
0xe5: {  	v1 =	vld [tilespmem:s19+$0xFFFFFFC0];
	_ =	sdelay $0x4  }
0xe6: {  	v0 =	vadd.f32 v1, v0;
	_ =	sdelay $0x1  }
0xe7: {  	[tilespmem:s5+$0xFFFFFFC0] =	vst v0;
	v0 =	vld [tilespmem:s5+$0xFFFFFFD0]  }
0xe8: {  	v1 =	vld [tilespmem:s19+$0xFFFFFFD0];
	_ =	sdelay $0x4  }
0xe9: {  	v0 =	vadd.f32 v1, v0;
	_ =	sdelay $0x1  }
0xea: {  	[tilespmem:s5+$0xFFFFFFD0] =	vst v0;
	v0 =	vld [tilespmem:s5+$0xFFFFFFE0]  }
0xeb: {  	v1 =	vld [tilespmem:s19+$0xFFFFFFE0];
	_ =	sdelay $0x4  }
0xec: {  	v0 =	vadd.f32 v1, v0;
	_ =	sdelay $0x1  }
0xed: {  	[tilespmem:s5+$0xFFFFFFE0] =	vst v0;
	v0 =	vld [tilespmem:s5+$0xFFFFFFF0]  }
0xee: {  	v1 =	vld [tilespmem:s19+$0xFFFFFFF0];
	_ =	sdelay $0x4  }
0xef: {  	v0 =	vadd.f32 v1, v0;
	_ =	sdelay $0x1  }
0xf0: {  	[tilespmem:s5+$0xFFFFFFF0] =	vst v0;
	v0 =	vld [tilespmem:s5+$0x0]  }
0xf1: {  	v1 =	vld [tilespmem:s19+$0x0];
	_ =	sdelay $0x4  }
0xf2: {  	v0 =	vadd.f32 v1, v0;
	_ =	sdelay $0x1  }
0xf3: {  	[tilespmem:s5+$0x0] =	vst v0;
	v0 =	vld [tilespmem:s5+$0x10]  }
0xf4: {  	v1 =	vld [tilespmem:s19+$0x10];
	_ =	sdelay $0x4  }
0xf5: {  	v0 =	vadd.f32 v1, v0;
	_ =	sdelay $0x1  }
0xf6: {  	[tilespmem:s5+$0x10] =	vst v0;
	v0 =	vld [tilespmem:s5+$0x20]  }
0xf7: {  	v1 =	vld [tilespmem:s19+$0x20];
	_ =	sdelay $0x4  }
0xf8: {  	v0 =	vadd.f32 v1, v0;
	_ =	sdelay $0x1  }
0xf9: {  	[tilespmem:s5+$0x20] =	vst v0;
	v0 =	vld [tilespmem:s5+$0x30]  }
0xfa: {  	v1 =	vld [tilespmem:s19+$0x30];
	_ =	sdelay $0x4  }
0xfb: {  	v0 =	vadd.f32 v1, v0;
	_ =	sdelay $0x1  }
0xfc: {  	[tilespmem:s5+$0x30] =	vst v0;
	v0 =	vld [tilespmem:s5+$0x40]  }
0xfd: {  	v1 =	vld [tilespmem:s19+$0x40];
	_ =	sdelay $0x4  }
0xfe: {  	v0 =	vadd.f32 v1, v0;
	_ =	sdelay $0x1  }
0xff: {  	[tilespmem:s5+$0x40] =	vst v0;
	v0 =	vld [tilespmem:s5+$0x50]  }
0x100: {  	v1 =	vld [tilespmem:s19+$0x50];
	_ =	sdelay $0x4  }
0x101: {  	v0 =	vadd.f32 v1, v0;
	_ =	sdelay $0x1  }
0x102: {  	[tilespmem:s5+$0x50] =	vst v0;
	v0 =	vld [tilespmem:s5+$0x60]  }
0x103: {  	v1 =	vld [tilespmem:s19+$0x60];
	_ =	sdelay $0x4  }
0x104: {  	v0 =	vadd.f32 v1, v0;
	_ =	sdelay $0x1  }
0x105: {  	[tilespmem:s5+$0x60] =	vst v0;
	v0 =	vld [tilespmem:s5+$0x70]  }
0x106: {  	v1 =	vld [tilespmem:s19+$0x70];
	_ =	sdelay $0x1  }
.Ltmp3:
0x107: {  	(pc) =	sbr.rel @p0 .LBB2_5-.Ltmp3, $3  }
0x108: {  	_ =	sdelay $0x1  }
0x109: {  	v0 =	vadd.f32 v1, v0  }
0x10a: {  	s5 =	sadd.s32 $0x100, s5  }
0x10b: {  	s5 =	sadd.s32 s17, s6  }
0x10c: {  	s5 =	smul.u32 $0x640, s5;
	_ =	sdelay $0x1  }
0x10d: {  	s17 =	sadd.s32 s2, s5  }
0x10e: {  	[tilespmem:s18+$0x70] =	vst v0;
	p0 =	seq.s32 s14, $0x7;
	s5 =	sadd.s32 $0x640, s17  }
0x10f: {  	[hbm4b:s5+s3] =	stream.linear.scatter [tilespmem:s16], [sflag:$0x6], $0x3200, $0x38;
	[tilespmem:$0x11300] =	vst v63  }
0x110: {  	s7 =	smul.u32 @!p0 $0xC80, s14;
	s5 =	simm.s32 @!p0 $0x5  }
0x111: {  	_ =	swait.ge @!p0 [sflag:s5], $0x3200  }
0x112: {  	s19 =	simm.s32 @!p0 $0x4B00;
	s18 =	sshra.s32 @!p0 s7, $0x2;
	[sflag:s5] =	ssyncset.done @!p0 $0x0  }
0x113: {  	s7 =	simm.s32 @!p0 $0x68;
	[sflag:s5] =	ssyncadd.s32 @!p0 $0xFFFFCE00;
	s5 =	sadd.s32 @!p0 $0x320, s18  }
0x114: {  	[tilespmem:s19], [sflag:$0x1] =	stream.indirect.gather @!p0 [hbm4b:s4+s7], $0x40, s5, s7, $0xb8;
	[tilespmem:$0x11300] =	vst v63  }
0x115: {  	s5 =	sadd.s32 @!p0 $0x388, s18;
	s7 =	simm.s32 @!p0 $0x60;
	s19 =	simm.s32 @!p0 $0x6500  }
0x116: {  	[tilespmem:s19], [sflag:$0x1] =	stream.indirect.gather @!p0 [hbm4b:s4+s7], $0x40, s5, s7, $0xb8;
	[tilespmem:$0x11300] =	vst v63  }
0x117: {  	_ =	swait.ge [sflag:s28], $0x3200  }
0x118: {  	[sflag:s28] =	ssyncset.done $0x0  }
0x119: {  	s19 =	simm.s32 $0xAF80;
	[sflag:s28] =	ssyncadd.s32 $0xFFFFCE00  }
0x11a: {  	s21 =	simm.s32 $0x1980;
	v0 =	vld [tilespmem:s19+$0xFFFFFF80]  }
0x11b: {  	v1 =	vld [tilespmem:s21+$0xFFFFFF80];
	_ =	sdelay $0x4  }
0x11c: {  	v0 =	vadd.f32 v1, v0;
	_ =	sdelay $0x1  }
0x11d: {  	[tilespmem:s19+$0xFFFFFF80] =	vst v0;
	v0 =	vld [tilespmem:s19+$0xFFFFFF90]  }
0x11e: {  	v1 =	vld [tilespmem:s21+$0xFFFFFF90];
	_ =	sdelay $0x4  }
0x11f: {  	v0 =	vadd.f32 v1, v0;
	_ =	sdelay $0x1  }
0x120: {  	[tilespmem:s19+$0xFFFFFF90] =	vst v0;
	v0 =	vld [tilespmem:s19+$0xFFFFFFA0]  }
0x121: {  	v1 =	vld [tilespmem:s21+$0xFFFFFFA0];
	_ =	sdelay $0x4  }
0x122: {  	v0 =	vadd.f32 v1, v0;
	_ =	sdelay $0x1  }
0x123: {  	[tilespmem:s19+$0xFFFFFFA0] =	vst v0;
	v0 =	vld [tilespmem:s19+$0xFFFFFFB0]  }
0x124: {  	v1 =	vld [tilespmem:s21+$0xFFFFFFB0];
	_ =	sdelay $0x4  }
0x125: {  	v0 =	vadd.f32 v1, v0;
	_ =	sdelay $0x1  }
0x126: {  	[tilespmem:s19+$0xFFFFFFB0] =	vst v0;
	v0 =	vld [tilespmem:s19+$0xFFFFFFC0]  }
0x127: {  	v1 =	vld [tilespmem:s21+$0xFFFFFFC0];
	_ =	sdelay $0x4  }
0x128: {  	v0 =	vadd.f32 v1, v0;
	_ =	sdelay $0x1  }
0x129: {  	[tilespmem:s19+$0xFFFFFFC0] =	vst v0;
	v0 =	vld [tilespmem:s19+$0xFFFFFFD0]  }
0x12a: {  	v1 =	vld [tilespmem:s21+$0xFFFFFFD0];
	_ =	sdelay $0x4  }
0x12b: {  	v0 =	vadd.f32 v1, v0;
	_ =	sdelay $0x1  }
0x12c: {  	[tilespmem:s19+$0xFFFFFFD0] =	vst v0;
	v0 =	vld [tilespmem:s19+$0xFFFFFFE0]  }
0x12d: {  	v1 =	vld [tilespmem:s21+$0xFFFFFFE0];
	_ =	sdelay $0x4  }
0x12e: {  	v0 =	vadd.f32 v1, v0;
	_ =	sdelay $0x1  }
0x12f: {  	[tilespmem:s19+$0xFFFFFFE0] =	vst v0;
	v0 =	vld [tilespmem:s19+$0xFFFFFFF0]  }
0x130: {  	v1 =	vld [tilespmem:s21+$0xFFFFFFF0];
	_ =	sdelay $0x4  }
0x131: {  	v0 =	vadd.f32 v1, v0;
	_ =	sdelay $0x1  }
0x132: {  	[tilespmem:s19+$0xFFFFFFF0] =	vst v0;
	v0 =	vld [tilespmem:s19+$0x0]  }
0x133: {  	v1 =	vld [tilespmem:s21+$0x0];
	_ =	sdelay $0x4  }
0x134: {  	v0 =	vadd.f32 v1, v0;
	_ =	sdelay $0x1  }
0x135: {  	[tilespmem:s19+$0x0] =	vst v0;
	v0 =	vld [tilespmem:s19+$0x10]  }
0x136: {  	v1 =	vld [tilespmem:s21+$0x10];
	_ =	sdelay $0x4  }
0x137: {  	v0 =	vadd.f32 v1, v0;
	_ =	sdelay $0x1  }
0x138: {  	[tilespmem:s19+$0x10] =	vst v0;
	v0 =	vld [tilespmem:s19+$0x20]  }
0x139: {  	v1 =	vld [tilespmem:s21+$0x20];
	_ =	sdelay $0x4  }
0x13a: {  	v0 =	vadd.f32 v1, v0;
	_ =	sdelay $0x1  }
0x13b: {  	[tilespmem:s19+$0x20] =	vst v0;
	v0 =	vld [tilespmem:s19+$0x30]  }
0x13c: {  	v1 =	vld [tilespmem:s21+$0x30];
	_ =	sdelay $0x4  }
0x13d: {  	v0 =	vadd.f32 v1, v0;
	_ =	sdelay $0x1  }
0x13e: {  	[tilespmem:s19+$0x30] =	vst v0;
	v0 =	vld [tilespmem:s19+$0x40]  }
0x13f: {  	v1 =	vld [tilespmem:s21+$0x40];
	_ =	sdelay $0x4  }
0x140: {  	v0 =	vadd.f32 v1, v0;
	_ =	sdelay $0x1  }
0x141: {  	[tilespmem:s19+$0x40] =	vst v0;
	v0 =	vld [tilespmem:s19+$0x50]  }
0x142: {  	v1 =	vld [tilespmem:s21+$0x50];
	_ =	sdelay $0x4  }
0x143: {  	v0 =	vadd.f32 v1, v0;
	_ =	sdelay $0x1  }
0x144: {  	[tilespmem:s19+$0x50] =	vst v0;
	v0 =	vld [tilespmem:s19+$0x60]  }
0x145: {  	v1 =	vld [tilespmem:s21+$0x60];
	_ =	sdelay $0x4  }
0x146: {  	v0 =	vadd.f32 v1, v0;
	_ =	sdelay $0x1  }
0x147: {  	[tilespmem:s19+$0x60] =	vst v0;
	v0 =	vld [tilespmem:s19+$0x70]  }
0x148: {  	v1 =	vld [tilespmem:s21+$0x70];
	_ =	sdelay $0x4  }
0x149: {  	v0 =	vadd.f32 v1, v0  }
0x14a: {  	s5 =	simm.s32 $0x0;
	s7 =	simm.s32 $0xB080  }
.LBB2_7:
0x14b: {  	v1 =	vld [tilespmem:s7+$0xFFFFFF80];
	[tilespmem:s19+$0x70] =	vst v0;
	s21 =	sadd.s32 $0x100, s21;
	s19 =	smov.u32 s7  }
0x14c: {  	s5 =	sadd.s32 $0x4, s5;
	v0 =	vld [tilespmem:s21+$0xFFFFFF80]  }
0x14d: {  	p1 =	slt.u32 s5, $0xC4;
	_ =	sdelay $0x3  }
0x14e: {  	v0 =	vadd.f32 v0, v1;
	_ =	sdelay $0x1  }
0x14f: {  	[tilespmem:s7+$0xFFFFFF80] =	vst v0;
	v0 =	vld [tilespmem:s7+$0xFFFFFF90]  }
0x150: {  	v1 =	vld [tilespmem:s21+$0xFFFFFF90];
	_ =	sdelay $0x4  }
0x151: {  	v0 =	vadd.f32 v1, v0;
	_ =	sdelay $0x1  }
0x152: {  	[tilespmem:s7+$0xFFFFFF90] =	vst v0;
	v0 =	vld [tilespmem:s7+$0xFFFFFFA0]  }
0x153: {  	v1 =	vld [tilespmem:s21+$0xFFFFFFA0];
	_ =	sdelay $0x4  }
0x154: {  	v0 =	vadd.f32 v1, v0;
	_ =	sdelay $0x1  }
0x155: {  	[tilespmem:s7+$0xFFFFFFA0] =	vst v0;
	v0 =	vld [tilespmem:s7+$0xFFFFFFB0]  }
0x156: {  	v1 =	vld [tilespmem:s21+$0xFFFFFFB0];
	_ =	sdelay $0x4  }
0x157: {  	v0 =	vadd.f32 v1, v0;
	_ =	sdelay $0x1  }
0x158: {  	[tilespmem:s7+$0xFFFFFFB0] =	vst v0;
	v0 =	vld [tilespmem:s7+$0xFFFFFFC0]  }
0x159: {  	v1 =	vld [tilespmem:s21+$0xFFFFFFC0];
	_ =	sdelay $0x4  }
0x15a: {  	v0 =	vadd.f32 v1, v0;
	_ =	sdelay $0x1  }
0x15b: {  	[tilespmem:s7+$0xFFFFFFC0] =	vst v0;
	v0 =	vld [tilespmem:s7+$0xFFFFFFD0]  }
0x15c: {  	v1 =	vld [tilespmem:s21+$0xFFFFFFD0];
	_ =	sdelay $0x4  }
0x15d: {  	v0 =	vadd.f32 v1, v0;
	_ =	sdelay $0x1  }
0x15e: {  	[tilespmem:s7+$0xFFFFFFD0] =	vst v0;
	v0 =	vld [tilespmem:s7+$0xFFFFFFE0]  }
0x15f: {  	v1 =	vld [tilespmem:s21+$0xFFFFFFE0];
	_ =	sdelay $0x4  }
0x160: {  	v0 =	vadd.f32 v1, v0;
	_ =	sdelay $0x1  }
0x161: {  	[tilespmem:s7+$0xFFFFFFE0] =	vst v0;
	v0 =	vld [tilespmem:s7+$0xFFFFFFF0]  }
0x162: {  	v1 =	vld [tilespmem:s21+$0xFFFFFFF0];
	_ =	sdelay $0x4  }
0x163: {  	v0 =	vadd.f32 v1, v0;
	_ =	sdelay $0x1  }
0x164: {  	[tilespmem:s7+$0xFFFFFFF0] =	vst v0;
	v0 =	vld [tilespmem:s7+$0x0]  }
0x165: {  	v1 =	vld [tilespmem:s21+$0x0];
	_ =	sdelay $0x4  }
0x166: {  	v0 =	vadd.f32 v1, v0;
	_ =	sdelay $0x1  }
0x167: {  	[tilespmem:s7+$0x0] =	vst v0;
	v0 =	vld [tilespmem:s7+$0x10]  }
0x168: {  	v1 =	vld [tilespmem:s21+$0x10];
	_ =	sdelay $0x4  }
0x169: {  	v0 =	vadd.f32 v1, v0;
	_ =	sdelay $0x1  }
0x16a: {  	[tilespmem:s7+$0x10] =	vst v0;
	v0 =	vld [tilespmem:s7+$0x20]  }
0x16b: {  	v1 =	vld [tilespmem:s21+$0x20];
	_ =	sdelay $0x4  }
0x16c: {  	v0 =	vadd.f32 v1, v0;
	_ =	sdelay $0x1  }
0x16d: {  	[tilespmem:s7+$0x20] =	vst v0;
	v0 =	vld [tilespmem:s7+$0x30]  }
0x16e: {  	v1 =	vld [tilespmem:s21+$0x30];
	_ =	sdelay $0x4  }
0x16f: {  	v0 =	vadd.f32 v1, v0;
	_ =	sdelay $0x1  }
0x170: {  	[tilespmem:s7+$0x30] =	vst v0;
	v0 =	vld [tilespmem:s7+$0x40]  }
0x171: {  	v1 =	vld [tilespmem:s21+$0x40];
	_ =	sdelay $0x4  }
0x172: {  	v0 =	vadd.f32 v1, v0;
	_ =	sdelay $0x1  }
0x173: {  	[tilespmem:s7+$0x40] =	vst v0;
	v0 =	vld [tilespmem:s7+$0x50]  }
0x174: {  	v1 =	vld [tilespmem:s21+$0x50];
	_ =	sdelay $0x4  }
0x175: {  	v0 =	vadd.f32 v1, v0;
	_ =	sdelay $0x1  }
0x176: {  	[tilespmem:s7+$0x50] =	vst v0;
	v0 =	vld [tilespmem:s7+$0x60]  }
0x177: {  	v1 =	vld [tilespmem:s21+$0x60];
	_ =	sdelay $0x4  }
0x178: {  	v0 =	vadd.f32 v1, v0;
	_ =	sdelay $0x1  }
0x179: {  	[tilespmem:s7+$0x60] =	vst v0;
	v0 =	vld [tilespmem:s7+$0x70]  }
0x17a: {  	v1 =	vld [tilespmem:s21+$0x70];
	_ =	sdelay $0x1  }
.Ltmp4:
0x17b: {  	(pc) =	sbr.rel @p1 .LBB2_7-.Ltmp4, $3  }
0x17c: {  	_ =	sdelay $0x1  }
0x17d: {  	v0 =	vadd.f32 v1, v0  }
0x17e: {  	s7 =	sadd.s32 $0x100, s7  }
0x17f: {  	[tilespmem:s19+$0x70] =	vst v0;
	s5 =	sadd.s32 $0xC80, s17  }
0x180: {  	[hbm4b:s5+s3] =	stream.linear.scatter [tilespmem:s20], [sflag:$0x7], $0x3200, $0x38;
	[tilespmem:$0x11300] =	vst v63  }
0x181: {  	s5 =	simm.s32 @!p0 $0x6  }
0x182: {  	_ =	swait.ge @!p0 [sflag:s5], $0x3200  }
0x183: {  	s7 =	simm.s32 @!p0 $0x68;
	[sflag:s5] =	ssyncset.done @!p0 $0x0  }
0x184: {  	s17 =	simm.s32 @!p0 $0x7D00;
	[sflag:s5] =	ssyncadd.s32 @!p0 $0xFFFFCE00;
	s5 =	sadd.s32 @!p0 $0x3E8, s18  }
0x185: {  	[tilespmem:s17], [sflag:$0x2] =	stream.indirect.gather @!p0 [hbm4b:s4+s7], $0x40, s5, s7, $0xb8;
	[tilespmem:$0x11300] =	vst v63  }
0x186: {  	s5 =	sadd.s32 @!p0 $0x450, s18;
	s7 =	simm.s32 @!p0 $0x60;
	s17 =	simm.s32 @!p0 $0x9700  }
0x187: {  	[tilespmem:s17], [sflag:$0x2] =	stream.indirect.gather @!p0 [hbm4b:s4+s7], $0x40, s5, s7, $0xb8;
	[tilespmem:$0x11300] =	vst v63  }
0x188: {  	_ =	swait.ge [sflag:s29], $0x3200  }
0x189: {  	[sflag:s29] =	ssyncset.done $0x0  }
0x18a: {  	s17 =	simm.s32 $0xE180;
	[sflag:s29] =	ssyncadd.s32 $0xFFFFCE00  }
0x18b: {  	s18 =	simm.s32 $0x1980;
	v0 =	vld [tilespmem:s17+$0xFFFFFF80]  }
0x18c: {  	v1 =	vld [tilespmem:s18+$0xFFFFFF80];
	_ =	sdelay $0x4  }
0x18d: {  	v0 =	vadd.f32 v1, v0;
	_ =	sdelay $0x1  }
0x18e: {  	[tilespmem:s17+$0xFFFFFF80] =	vst v0;
	v0 =	vld [tilespmem:s17+$0xFFFFFF90]  }
0x18f: {  	v1 =	vld [tilespmem:s18+$0xFFFFFF90];
	_ =	sdelay $0x4  }
0x190: {  	v0 =	vadd.f32 v1, v0;
	_ =	sdelay $0x1  }
0x191: {  	[tilespmem:s17+$0xFFFFFF90] =	vst v0;
	v0 =	vld [tilespmem:s17+$0xFFFFFFA0]  }
0x192: {  	v1 =	vld [tilespmem:s18+$0xFFFFFFA0];
	_ =	sdelay $0x4  }
0x193: {  	v0 =	vadd.f32 v1, v0;
	_ =	sdelay $0x1  }
0x194: {  	[tilespmem:s17+$0xFFFFFFA0] =	vst v0;
	v0 =	vld [tilespmem:s17+$0xFFFFFFB0]  }
0x195: {  	v1 =	vld [tilespmem:s18+$0xFFFFFFB0];
	_ =	sdelay $0x4  }
0x196: {  	v0 =	vadd.f32 v1, v0;
	_ =	sdelay $0x1  }
0x197: {  	[tilespmem:s17+$0xFFFFFFB0] =	vst v0;
	v0 =	vld [tilespmem:s17+$0xFFFFFFC0]  }
0x198: {  	v1 =	vld [tilespmem:s18+$0xFFFFFFC0];
	_ =	sdelay $0x4  }
0x199: {  	v0 =	vadd.f32 v1, v0;
	_ =	sdelay $0x1  }
0x19a: {  	[tilespmem:s17+$0xFFFFFFC0] =	vst v0;
	v0 =	vld [tilespmem:s17+$0xFFFFFFD0]  }
0x19b: {  	v1 =	vld [tilespmem:s18+$0xFFFFFFD0];
	_ =	sdelay $0x4  }
0x19c: {  	v0 =	vadd.f32 v1, v0;
	_ =	sdelay $0x1  }
0x19d: {  	[tilespmem:s17+$0xFFFFFFD0] =	vst v0;
	v0 =	vld [tilespmem:s17+$0xFFFFFFE0]  }
0x19e: {  	v1 =	vld [tilespmem:s18+$0xFFFFFFE0];
	_ =	sdelay $0x4  }
0x19f: {  	v0 =	vadd.f32 v1, v0;
	_ =	sdelay $0x1  }
0x1a0: {  	[tilespmem:s17+$0xFFFFFFE0] =	vst v0;
	v0 =	vld [tilespmem:s17+$0xFFFFFFF0]  }
0x1a1: {  	v1 =	vld [tilespmem:s18+$0xFFFFFFF0];
	_ =	sdelay $0x4  }
0x1a2: {  	v0 =	vadd.f32 v1, v0;
	_ =	sdelay $0x1  }
0x1a3: {  	[tilespmem:s17+$0xFFFFFFF0] =	vst v0;
	v0 =	vld [tilespmem:s17+$0x0]  }
0x1a4: {  	v1 =	vld [tilespmem:s18+$0x0];
	_ =	sdelay $0x4  }
0x1a5: {  	v0 =	vadd.f32 v1, v0;
	_ =	sdelay $0x1  }
0x1a6: {  	[tilespmem:s17+$0x0] =	vst v0;
	v0 =	vld [tilespmem:s17+$0x10]  }
0x1a7: {  	v1 =	vld [tilespmem:s18+$0x10];
	_ =	sdelay $0x4  }
0x1a8: {  	v0 =	vadd.f32 v1, v0;
	_ =	sdelay $0x1  }
0x1a9: {  	[tilespmem:s17+$0x10] =	vst v0;
	v0 =	vld [tilespmem:s17+$0x20]  }
0x1aa: {  	v1 =	vld [tilespmem:s18+$0x20];
	_ =	sdelay $0x4  }
0x1ab: {  	v0 =	vadd.f32 v1, v0;
	_ =	sdelay $0x1  }
0x1ac: {  	[tilespmem:s17+$0x20] =	vst v0;
	v0 =	vld [tilespmem:s17+$0x30]  }
0x1ad: {  	v1 =	vld [tilespmem:s18+$0x30];
	_ =	sdelay $0x4  }
0x1ae: {  	v0 =	vadd.f32 v1, v0;
	_ =	sdelay $0x1  }
0x1af: {  	[tilespmem:s17+$0x30] =	vst v0;
	v0 =	vld [tilespmem:s17+$0x40]  }
0x1b0: {  	v1 =	vld [tilespmem:s18+$0x40];
	_ =	sdelay $0x4  }
0x1b1: {  	v0 =	vadd.f32 v1, v0;
	_ =	sdelay $0x1  }
0x1b2: {  	[tilespmem:s17+$0x40] =	vst v0;
	v0 =	vld [tilespmem:s17+$0x50]  }
0x1b3: {  	v1 =	vld [tilespmem:s18+$0x50];
	_ =	sdelay $0x4  }
0x1b4: {  	v0 =	vadd.f32 v1, v0;
	_ =	sdelay $0x1  }
0x1b5: {  	[tilespmem:s17+$0x50] =	vst v0;
	v0 =	vld [tilespmem:s17+$0x60]  }
0x1b6: {  	v1 =	vld [tilespmem:s18+$0x60];
	_ =	sdelay $0x4  }
0x1b7: {  	v0 =	vadd.f32 v1, v0;
	_ =	sdelay $0x1  }
0x1b8: {  	[tilespmem:s17+$0x60] =	vst v0;
	v0 =	vld [tilespmem:s17+$0x70]  }
0x1b9: {  	v1 =	vld [tilespmem:s18+$0x70];
	_ =	sdelay $0x4  }
0x1ba: {  	v0 =	vadd.f32 v1, v0  }
0x1bb: {  	s5 =	simm.s32 $0x0;
	s7 =	simm.s32 $0xE280  }
.LBB2_9:
0x1bc: {  	v1 =	vld [tilespmem:s7+$0xFFFFFF80];
	[tilespmem:s17+$0x70] =	vst v0;
	s18 =	sadd.s32 $0x100, s18;
	s17 =	smov.u32 s7  }
0x1bd: {  	s5 =	sadd.s32 $0x4, s5;
	v0 =	vld [tilespmem:s18+$0xFFFFFF80]  }
0x1be: {  	p1 =	slt.u32 s5, $0xC4;
	_ =	sdelay $0x3  }
0x1bf: {  	v0 =	vadd.f32 v0, v1;
	_ =	sdelay $0x1  }
0x1c0: {  	[tilespmem:s7+$0xFFFFFF80] =	vst v0;
	v0 =	vld [tilespmem:s7+$0xFFFFFF90]  }
0x1c1: {  	v1 =	vld [tilespmem:s18+$0xFFFFFF90];
	_ =	sdelay $0x4  }
0x1c2: {  	v0 =	vadd.f32 v1, v0;
	_ =	sdelay $0x1  }
0x1c3: {  	[tilespmem:s7+$0xFFFFFF90] =	vst v0;
	v0 =	vld [tilespmem:s7+$0xFFFFFFA0]  }
0x1c4: {  	v1 =	vld [tilespmem:s18+$0xFFFFFFA0];
	_ =	sdelay $0x4  }
0x1c5: {  	v0 =	vadd.f32 v1, v0;
	_ =	sdelay $0x1  }
0x1c6: {  	[tilespmem:s7+$0xFFFFFFA0] =	vst v0;
	v0 =	vld [tilespmem:s7+$0xFFFFFFB0]  }
0x1c7: {  	v1 =	vld [tilespmem:s18+$0xFFFFFFB0];
	_ =	sdelay $0x4  }
0x1c8: {  	v0 =	vadd.f32 v1, v0;
	_ =	sdelay $0x1  }
0x1c9: {  	[tilespmem:s7+$0xFFFFFFB0] =	vst v0;
	v0 =	vld [tilespmem:s7+$0xFFFFFFC0]  }
0x1ca: {  	v1 =	vld [tilespmem:s18+$0xFFFFFFC0];
	_ =	sdelay $0x4  }
0x1cb: {  	v0 =	vadd.f32 v1, v0;
	_ =	sdelay $0x1  }
0x1cc: {  	[tilespmem:s7+$0xFFFFFFC0] =	vst v0;
	v0 =	vld [tilespmem:s7+$0xFFFFFFD0]  }
0x1cd: {  	v1 =	vld [tilespmem:s18+$0xFFFFFFD0];
	_ =	sdelay $0x4  }
0x1ce: {  	v0 =	vadd.f32 v1, v0;
	_ =	sdelay $0x1  }
0x1cf: {  	[tilespmem:s7+$0xFFFFFFD0] =	vst v0;
	v0 =	vld [tilespmem:s7+$0xFFFFFFE0]  }
0x1d0: {  	v1 =	vld [tilespmem:s18+$0xFFFFFFE0];
	_ =	sdelay $0x4  }
0x1d1: {  	v0 =	vadd.f32 v1, v0;
	_ =	sdelay $0x1  }
0x1d2: {  	[tilespmem:s7+$0xFFFFFFE0] =	vst v0;
	v0 =	vld [tilespmem:s7+$0xFFFFFFF0]  }
0x1d3: {  	v1 =	vld [tilespmem:s18+$0xFFFFFFF0];
	_ =	sdelay $0x4  }
0x1d4: {  	v0 =	vadd.f32 v1, v0;
	_ =	sdelay $0x1  }
0x1d5: {  	[tilespmem:s7+$0xFFFFFFF0] =	vst v0;
	v0 =	vld [tilespmem:s7+$0x0]  }
0x1d6: {  	v1 =	vld [tilespmem:s18+$0x0];
	_ =	sdelay $0x4  }
0x1d7: {  	v0 =	vadd.f32 v1, v0;
	_ =	sdelay $0x1  }
0x1d8: {  	[tilespmem:s7+$0x0] =	vst v0;
	v0 =	vld [tilespmem:s7+$0x10]  }
0x1d9: {  	v1 =	vld [tilespmem:s18+$0x10];
	_ =	sdelay $0x4  }
0x1da: {  	v0 =	vadd.f32 v1, v0;
	_ =	sdelay $0x1  }
0x1db: {  	[tilespmem:s7+$0x10] =	vst v0;
	v0 =	vld [tilespmem:s7+$0x20]  }
0x1dc: {  	v1 =	vld [tilespmem:s18+$0x20];
	_ =	sdelay $0x4  }
0x1dd: {  	v0 =	vadd.f32 v1, v0;
	_ =	sdelay $0x1  }
0x1de: {  	[tilespmem:s7+$0x20] =	vst v0;
	v0 =	vld [tilespmem:s7+$0x30]  }
0x1df: {  	v1 =	vld [tilespmem:s18+$0x30];
	_ =	sdelay $0x4  }
0x1e0: {  	v0 =	vadd.f32 v1, v0;
	_ =	sdelay $0x1  }
0x1e1: {  	[tilespmem:s7+$0x30] =	vst v0;
	v0 =	vld [tilespmem:s7+$0x40]  }
0x1e2: {  	v1 =	vld [tilespmem:s18+$0x40];
	_ =	sdelay $0x4  }
0x1e3: {  	v0 =	vadd.f32 v1, v0;
	_ =	sdelay $0x1  }
0x1e4: {  	[tilespmem:s7+$0x40] =	vst v0;
	v0 =	vld [tilespmem:s7+$0x50]  }
0x1e5: {  	v1 =	vld [tilespmem:s18+$0x50];
	_ =	sdelay $0x4  }
0x1e6: {  	v0 =	vadd.f32 v1, v0;
	_ =	sdelay $0x1  }
0x1e7: {  	[tilespmem:s7+$0x50] =	vst v0;
	v0 =	vld [tilespmem:s7+$0x60]  }
0x1e8: {  	v1 =	vld [tilespmem:s18+$0x60];
	_ =	sdelay $0x4  }
0x1e9: {  	v0 =	vadd.f32 v1, v0;
	_ =	sdelay $0x1  }
0x1ea: {  	[tilespmem:s7+$0x60] =	vst v0;
	v0 =	vld [tilespmem:s7+$0x70]  }
0x1eb: {  	v1 =	vld [tilespmem:s18+$0x70];
	_ =	sdelay $0x1  }
.Ltmp5:
0x1ec: {  	(pc) =	sbr.rel @p1 .LBB2_9-.Ltmp5, $3  }
0x1ed: {  	_ =	sdelay $0x1  }
0x1ee: {  	v0 =	vadd.f32 v1, v0  }
0x1ef: {  	s7 =	sadd.s32 $0x100, s7  }
.Ltmp6:
0x1f0: {  	s5 =	sadd.s32 s6, s15;
	(pc) =	sbr.rel @p0 .LBB2_12-.Ltmp6, $3  }
0x1f1: {  	s5 =	smul.u32 $0x640, s5;
	_ =	sdelay $0x1  }
0x1f2: {  	[tilespmem:s17+$0x70] =	vst v0;
	s5 =	sadd.s32 s2, s5  }
0x1f3: {  	[hbm4b:s5+s3] =	stream.linear.scatter [tilespmem:s24], [sflag:$0x8], $0x3200, $0x38;
	[tilespmem:$0x11300] =	vst v63  }
0x1f4: {  	s5 =	smul.u32 $0xC80, s14  }
0x1f5: {  	_ =	swait.ge [sflag:s1], $0x3200  }
.Ltmp7:
0x1f6: {  	[sflag:s1] =	ssyncset.done $0x0;
	s5 =	sshra.s32 s5, $0x2;
	(pc) =	sbr.rel .LBB2_2-.Ltmp7, $4  }
0x1f7: {  	[sflag:s1] =	ssyncadd.s32 $0xFFFFCE00;
	s7 =	sadd.s32 $0x4B0, s5  }
0x1f8: {  	[tilespmem:s20], [sflag:$0x3] =	stream.indirect.gather [hbm4b:s4+s11], $0x40, s7, s11, $0xb8;
	[tilespmem:$0x11300] =	vst v63  }
0x1f9: {  	s14 =	sadd.s32 $0x1, s14;
	s5 =	sadd.s32 $0x518, s5  }
0x1fa: {  	[tilespmem:s22], [sflag:$0x3] =	stream.indirect.gather [hbm4b:s4+s13], $0x40, s5, s13, $0xb8;
	[tilespmem:$0x11300] =	vst v63  }
.LBB2_13:
0x1fb: {  	_ =	sfence.sel $0x180000  }
0x1fc: {  	[bflag:$0x0] =	sbarrier.arrive $0xFFFF  }
0x1fd: {  	_ =	strace $0x90000047  }
0x1fe: {  	s0 =	stileid.u32;
	[bflag:$0x2] =	sbarrier.arrive $0xFFFF  }
0x1ff: {  	p0 =	sne.s32 s0, $0x0;
	s0 =	rddreg [dreg:$0x2]  }
0x200: {  	s0 =	sadd.s32 @!p0 $0x100000, s0  }
0x201: {  	[sflag:s0] =	ssyncadd.tile.s32 @!p0 $0x1;
	_ =	shalt  }
.Lfunc_end2:
_tile_overlayer_lowered:
.L_overlay_start_2:
0x202: {  	(tag) =	ssettag $0x2  }
0x203: {  	s0 =	rddreg [dreg:$0x0];
	s2 =	stileid.u32  }
0x204: {  	s1 =	rddreg [dreg:$0x1];
	p0 =	sne.s32 s2, $0x0  }
0x205: {  	s3 =	rddreg [dreg:$0x2];
	[bflag:$0x3] =	sbarrier.arrive $0xFFFF;
	s2 =	simm.s32 @!p0 $0x1C09  }
0x206: {  	[timem:s3], [sflag:s2] =	dma.local @!p0 [hbm:s0], s1  }
0x207: {  	s0 =	simm.s32 @!p0 $0x9  }
0x208: {  	_ =	swait.ge @!p0 [sflag:s0], s1  }
0x209: {  	s1 =	ssub.s32 @!p0 $0x0, s1;
	[sflag:s0] =	ssyncset.done @!p0 $0x0  }
0x20a: {  	[sflag:s0] =	ssyncadd.s32 @!p0 s1  }
0x20b: {  	[bflag:$0x3] =	sbarrier.arrive $0xFFFF  }
0x20c: {  	_ =	shalt  }

// kernel: sparse-core-data-format-call.cloned.1.call-start
scs
called_computation_lowered:
.L_overlay_start_0:
0x0: {  	s2 =	sld [smem:$0x3FD9]  }
0x1: {  	s3 =	sld [smem:$0x3FFE];
	_ =	sdelay $0x1  }
0x2: {  	s1 =	srdreg.scid  }
0x3: {  	s0 =	sand.u32 $0x1, s1  }
0x4: {  	s18 =	sshll.u32 s0, $0xA;
	s2 =	sadd.s32 s3, s2  }
0x5: {  	s2 =	sadd.s32 s2, s18  }
0x6: {  	[smem:$0x3FC5] =	sst s2  }
0x7: {  	_ = 	snop  }
0x8: {  	s2 =	sld [smem:$0x3FD0];
	(tm) =	ssettm $0x1  }
0x9: {  	s19 =	sld [smem:$0x3FFB];
	_ =	sdelay $0x3  }
0xa: {  	_ =	strace s19  }
0xb: {  	s3 =	sld [smem:$0x3FFC];
	_ =	sdelay $0x3  }
0xc: {  	_ =	strace s3  }
0xd: {  	s3 =	sld [smem:$0x3FFD];
	_ =	sdelay $0x3  }
0xe: {  	_ =	strace s3  }
0xf: {  	_ =	strace $0x8FFFFFFF  }
0x10: {  	s20 =	sld [smem:$0x3FDB];
	_ =	sdelay $0x1  }
0x11: {  	s4 =	simm.s32 $_scs_section_size  }
0x12: {  	s5 =	simm.s32 $_size__tile_overlayer_lowered;
	s6 =	simm.s32 $_tile_overlayer_lowered  }
0x13: {  	s23 =	simm.s32 $0x1BFF;
	s22 =	sshll.u32 s6, $0x1;
	s3 =	sadd.s32 s4, s20  }
0x14: {  	s7 =	simm.s32 $0x0;
	s21 =	sshll.u32 s5, $0x1;
	s5 =	sadd.s32 s22, s3  }
0x15: {  	[timem:s7], [sflag:s23] =	dma.local [hbm:s5], s21  }
0x16: {  	_ =	swait.ge [sflag:s23], s21  }
0x17: {  	s4 =	ssub.s32 $0x0, s21;
	[sflag:s23] =	ssyncset.done $0x0  }
0x18: {  	[sflag:s23] =	ssyncadd.s32 s4;
	_ =	sdelay $0x1  }
0x19: {  	s24 =	simm.s32 $0x1B8B  }
0x1a: {  	_ =	swait.ge [sflag:s24], $0x1  }
0x1b: {  	[sflag:s24] =	ssyncset.done $0x0  }
0x1c: {  	s26 =	simm.s32 $0x1B8E;
	s25 =	sld [smem:$0x3FFE];
	[sflag:s24] =	ssyncadd.s32 $0xFFFFFFFF  }
0x1d: {  	s27 =	simm.s32 $execute0_lowered;
	[smem:$0x3FD2] =	sst s26  }
0x1e: {  	s5 =	sshll.u32 s27, $0x1;
	_ =	strace $0x80000049;
	[dreg:$0x1] =	wrdreg $0xFFFFFFFF  }
0x1f: {  	s28 =	simm.s32 $_size_execute0_lowered;
	s3 =	sadd.s32 s3, s5;
	[dreg:$0x0] =	wrdreg $0x0  }
0x20: {  	s5 =	sshll.u32 s28, $0x1;
	[dreg:$0x2] =	wrdreg s3  }
0x21: {  	[dreg:$0x3] =	wrdreg s5  }
0x22: {  	[dreg:$0x4] =	wrdreg $0xC0  }
0x23: {  	_ =	task [dreg:s7], $0x5FFFF  }
0x24: {  	[dreg:$0x1] =	wrdreg $0xFFFFFFFF  }
0x25: {  	[dreg:$0x0] =	wrdreg $0x60  }
0x26: {  	[dreg:$0x2] =	wrdreg s25  }
0x27: {  	[dreg:$0x3] =	wrdreg s2  }
0x28: {  	[dreg:$0x4] =	wrdreg $0x9  }
0x29: {  	_ =	task.clear_ibuf [dreg:s7], $0x5FFFF;
	_ =	strace $0x90000049  }
0x2a: {  	s29 =	simm.s32 $0x9;
	_ =	strace $0x8000004B  }
0x2b: {  	_ =	swait.ge [sflag:s29], $0x1  }
0x2c: {  	[sflag:s29] =	ssyncadd.s32 $0xFFFFFFFF  }
0x2d: {  	_ =	strace $0x9000004B  }
0x2e: {  	_ =	sfence  }
0x2f: {  	s30 =	sld [smem:$0x0];
	_ =	sdelay $0x2  }
0x30: {  	s31 =	sshll.u32 s1, $0xD;
	s1 =	sshrl.u32 s1, $0x2  }
0x31: {  	s3 =	sand.u32 $0x4000, s31;
	s1 =	sadd.s32 s1, s30  }
0x32: {  	s0 =	sor.u32 s3, s0;
	s1 =	sshll.u32 s1, $0x11  }
0x33: {  	s0 =	sor.u32 s1, s0  }
0x34: {  	s0 =	sadd.s32 $0x8F2B, s0  }
0x35: {  	[sflag:s0] =	ssyncadd.remote.s32 $0x1  }
0x36: {  	_ =	sfence.sel $0xFFFF  }
0x37: {  	[dreg:$0x0] =	wrdreg $0xFFFFFFFF;
	(pc) =	sbr.abs _section_cstart, $3  }
0x38: {  	[dreg:$0x1] =	wrdreg $0xFFFFFFFF  }
0x39: {  	_ =	task.clear_ibuf [dreg:s7], $0x2FFFF;
	_ =	strace $0x9FFFFFFF  }
0x3a: {  	(tm) =	ssettm $0x7FFFFFFF  }
0x3b: {  	_ =	shalt  }
tec
execute0_lowered:
.L_overlay_start_1:
0x0: {  	(tag) =	ssettag $0x1  }
0x1: {  	s0 =	stileid.u32;
	s6 =	rddreg [dreg:$0x0]  }
0x2: {  	s2 =	rddreg [dreg:$0x1];
	s5 =	srdreg.scid  }
0x3: {  	s31 =	simm.s32 $0x2;
	s13 =	simm.s32 $0x0;
	s1 =	sshll.u32 s0, $0x7  }
0x4: {  	s14 =	simm.s32 $0x0;
	s12 =	simm.s32 $0x0;
	s3 =	sand.u32 $0x380, s1  }
0x5: {  	s5 =	sshll.u32 s5, $0x4;
	s6 =	sadd.s32 $0xC00, s6;
	s4 =	ssub.s32 $0x400, s3  }
0x6: {  	s1 =	rddreg [dreg:$0x2];
	_ =	strace $0x8000004A;
	s7 =	sand.u32 $0x380, s4  }
0x7: {  	s5 =	sand.u32 $0x10, s5;
	p0 =	sne.s32 s7, $0x0;
	s7 =	simm.s32 $0x1  }
.Ltmp0:
0x8: {  	s8 =	sshrl.u32 s4, $0xA;
	s7 =	simm.s32 @!p0 $0x0;
	(pc) =	sbr.rel .LBB1_1-.Ltmp0, $4  }
0x9: {  	s9 =	sor.u32 s0, s5;
	s4 =	simm.s32 $0x1;
	s30 =	sadd.s32 s7, s8  }
0xa: {  	s11 =	smov.u32 s3;
	[sflag:s4] =	ssyncpa.u1 $0x0;
	s5 =	smul.u32 $0x32, s30  }
0xb: {  	[sflag:s31] =	ssyncpa.u1 $0x0;
	p0 =	por $0x0, $0x0;
	s7 =	sshrl.u32 s9, $0x3  }
0xc: {  	s9 =	simm.s32 $0x2000;
	s10 =	smov.u32 s7;
	s8 =	sor.u32 $0x1, s5  }
.LBB1_4:
0xd: {  	s17 =	sand.u32 $0x1F80, s14;
	s13 =	sshll.u32 s13, $0xD  }
0xe: {  	[tilespmem:s16+$0x810 ss:$0x81] =	vst.msk $0xffff, v2;
	s18 =	sshrl.u32 s14, $0x3;
	s31 =	sand.u32 $0x7, s14;
	s17 =	sadd.s32 s2, s17  }
0xf: {  	[tilespmem:s16+$0x1020 ss:$0x81] =	vst.msk $0xffff, v0;
	s18 =	sand.u32 $0xF, s18;
	s14 =	sshll.u32 s31, $0x12;
	s13 =	sadd.s32 s13, s17  }
0x10: {  	[tilespmem:s16+$0x0 ss:$0x81] =	vst.msk $0xffff, v1;
	s14 =	sor.u32 $0x400, s14;
	s13 =	sadd.s32 s18, s13  }
0x11: {  	[hbm4b:s13+s14] =	stream.strided.scatter [tilespmem:s15], [sflag:$0x2], $0x2000, s9, s14, $0x20;
	[tilespmem:$0x8080] =	vst v63  }
.LBB1_5:
0x12: {  	s15 =	sadd.s32 $0x4, s10  }
0x13: {  	s13 =	sadd.s32 $0x400, s11;
	s17 =	smov.u32 s11;
	p2 =	sgt.s32 s15, $0xC7  }
0x14: {  	s17 =	smov.u32 @p2 s13  }
0x15: {  	s15 =	smov.u32 @p2 s7;
	p2 =	sgt.s32 s17, $0x3FF  }
0x16: {  	s17 =	smov.u32 @p2 s3;
	p2 =	sne.s32 s12, s8  }
.Ltmp1:
0x17: {  	p1 =	slt.u32 s12, $0x2;
	(pc) =	sbr.rel @!p2 .LBB1_6-.Ltmp1, $4  }
0x18: {  	s16 =	simm.s32 @!p1 $0x2  }
0x19: {  	s14 =	smov.u32 s11;
	p0 =	por !p0, !p0;
	_ =	swait.ge @!p1 [sflag:s16], $0x2000  }
0x1a: {  	s13 =	smov.u32 s10;
	[sflag:s16] =	ssyncset.done @!p1 $0x0;
	s10 =	smov.u32 s15  }
0x1b: {  	s12 =	sadd.s32 $0x1, s12;
	[sflag:s16] =	ssyncadd.s32 @!p1 $0xFFFFE000;
	s11 =	smov.u32 s17  }
.LBB1_1:
0x1c: {  	p1 =	sge.u32 s12, s5  }
0x1d: {  	s15 =	sand.u32 @!p1 $0x1FFFFFF, s10  }
0x1e: {  	s16 =	smulhi.u32 @!p1 $0x147AE15, s15;
	_ =	sdelay $0x1  }
0x1f: {  	s16 =	smul.u32 @!p1 $0xC8, s16  }
0x20: {  	s17 =	sxor.u32 @!p1 $0xFFFFFFFF, s12;
	s18 =	smul.u32 @!p1 $0xC80, s11  }
0x21: {  	s31 =	sadd.s32 $0xFFFFFFFF, s12;
	s17 =	sshll.u32 @!p1 s17, $0xD;
	s15 =	ssub.s32 @!p1 s15, s16  }
0x22: {  	s16 =	sand.u32 @!p1 $0x2000, s17;
	s17 =	sadd.s32 @!p1 s6, s18;
	s15 =	sshll.u32 @!p1 s15, $0x4  }
0x23: {  	s18 =	simm.s32 @!p1 $0x6400;
	s15 =	sadd.s32 @!p1 s15, s17;
	s17 =	simm.s32 @!p1 $0x40  }
0x24: {  	[tilespmem:s16], [sflag:$0x1] =	stream.strided.gather @!p1 [hbm4b:s15+s17], $0x2000, s18, s17, $0x38;
	[tilespmem:$0x8080] =	vst v63  }
0x25: {  	p1 =	sge.u32 s31, s5  }
.Ltmp2:
0x26: {  	_ = 	snop;
	(pc) =	sbr.rel @p1 .LBB1_5-.Ltmp2, $1  }
0x27: {  	_ =	sdelay $0x3  }
0x28: {  	s15 =	simm.s32 $0x1  }
0x29: {  	_ =	swait.ge [sflag:s4], $0x2000;
	s15 =	simm.s32 @!p0 $0x0  }
0x2a: {  	[sflag:s4] =	ssyncset.done $0x0;
	s16 =	sshll.u32 s15, $0xD  }
0x2b: {  	[sflag:s4] =	ssyncadd.s32 $0xFFFFE000;
	s19 =	sor.u32 $0x20, s16  }
0x2c: {  	s15 =	smul.u32 $0x8100, s15;
	v3 =	vld [tilespmem:s19+$0x10]  }
0x2d: {  	s30 =	sand.u32 $0x1, s12;
	v2 =	vld [tilespmem:s19+$0xFFFFFFF0]  }
0x2e: {  	s16 =	smul.u32 $0x8100, s30;
	s15 =	sshrl.u32 s15, $0x2;
	v0 =	vld [tilespmem:s19+$0x0]  }
0x2f: {  	v1 =	vld [tilespmem:s19+$0xFFFFFFE0];
	s17 =	sor.u32 $0x4000, s15  }
0x30: {  	s31 =	sshrl.u32 s16, $0x2;
	s16 =	sadd.s32 $0x0, s17  }
0x31: {  	s18 =	simm.s32 $0x4;
	s19 =	sadd.s32 $0x40, s19;
	s15 =	sor.u32 $0x4000, s31;
	[tilespmem:s16+$0x1830 ss:$0x81] =	vst.msk $0xffff, v3  }
.LBB1_3:
0x32: {  	v3 =	vld [tilespmem:s19+$0x10];
	p1 =	sne.s32 s18, $0x1FC;
	[tilespmem:s16+$0x810 ss:$0x81] =	vst.msk $0xffff, v2;
	s20 =	smov.u32 s18;
	s18 =	sadd.s32 $0x4, s18  }
.Ltmp3:
0x33: {  	v2 =	vld [tilespmem:s19+$0xFFFFFFF0];
	[tilespmem:s16+$0x1020 ss:$0x81] =	vst.msk $0xffff, v0;
	(pc) =	sbr.rel @p1 .LBB1_3-.Ltmp3, $4  }
0x34: {  	v0 =	vld [tilespmem:s19+$0x0];
	[tilespmem:s16+$0x0 ss:$0x81] =	vst.msk $0xffff, v1  }
0x35: {  	s16 =	sshra.s32 s20, $0x2;
	v1 =	vld [tilespmem:s19+$0xFFFFFFE0]  }
0x36: {  	s16 =	sadd.s32 s16, s17  }
0x37: {  	s19 =	sadd.s32 $0x40, s19;
	[tilespmem:s16+$0x1830 ss:$0x81] =	vst.msk $0xffff, v3  }
.Ltmp4:
0x38: {  	_ = 	snop;
	(pc) =	sbr.rel .LBB1_4-.Ltmp4, $1  }
0x39: {  	_ =	sdelay $0x3  }
.LBB1_6:
0x3a: {  	_ =	sfence.sel $0x180000  }
0x3b: {  	s2 =	simm.s32 $0x1;
	[bflag:$0x0] =	sbarrier.arrive $0xFFFF  }
0x3c: {  	s31 =	simm.s32 $0x2;
	[sflag:s2] =	ssyncpa.u1 $0x1  }
0x3d: {  	[sflag:s31] =	ssyncpa.u1 $0x1  }
0x3e: {  	p0 =	sne.s32 s0, $0x0;
	_ =	strace $0x9000004A  }
0x3f: {  	s0 =	sadd.s32 @!p0 $0x100000, s1;
	[bflag:$0x2] =	sbarrier.arrive $0xFFFF  }
0x40: {  	[sflag:s0] =	ssyncadd.tile.s32 @!p0 $0x1;
	_ =	shalt  }
.Lfunc_end1:
_tile_overlayer_lowered:
.L_overlay_start_2:
0x41: {  	(tag) =	ssettag $0x2  }
0x42: {  	s0 =	rddreg [dreg:$0x0];
	s2 =	stileid.u32  }
0x43: {  	s1 =	rddreg [dreg:$0x1];
	p0 =	sne.s32 s2, $0x0  }
0x44: {  	s3 =	rddreg [dreg:$0x2];
	[bflag:$0x3] =	sbarrier.arrive $0xFFFF;
	s2 =	simm.s32 @!p0 $0x1C01  }
0x45: {  	[timem:s3], [sflag:s2] =	dma.local @!p0 [hbm:s0], s1  }
0x46: {  	s0 =	simm.s32 @!p0 $0x1  }
0x47: {  	_ =	swait.ge @!p0 [sflag:s0], s1  }
0x48: {  	s1 =	ssub.s32 @!p0 $0x0, s1;
	[sflag:s0] =	ssyncset.done @!p0 $0x0  }
0x49: {  	[sflag:s0] =	ssyncadd.s32 @!p0 s1  }
0x4a: {  	[bflag:$0x3] =	sbarrier.arrive $0xFFFF  }
0x4b: {  	_ =	shalt  }

</sc_bundles>
